<compile_context>
chip_gen: v7x
topology: tpu7x:2x2x1
jax: 0.10.2.dev20260603
libtpu: 0.0.44.dev20260713+nightly
codegen_flags: <defaults>
</compile_context>

<pallas_src>
import functools

import jax
import jax.numpy as jnp
from jax import lax
from jax.experimental import pallas as pl
from jax.experimental.pallas import tpu as pltpu
from jax.experimental.pallas import tpu_sc as plsc

N = 10000
NPAD = 10240
DIM = 128
E = 320000
TILES = 16
ROW = 128
ROWS = 157
EPAD = TILES * ROWS * ROW
UNROLL = ROW // 16

_MESH = plsc.VectorSubcoreMesh(
    core_axis_name="c", subcore_axis_name="s", num_cores=2, num_subcores=16
)


def _sc_body(src_hbm, dst_hbm, w_hbm, zeros_hbm, out_hbm,
             src_loc, dst_loc, w_loc, msg_loc, u_loc, v_sh):
    c = lax.axis_index("c")
    s = lax.axis_index("s")

    pltpu.sync_copy(src_hbm.at[s], src_loc)
    pltpu.sync_copy(w_hbm.at[s], w_loc)

    @pl.when(c == 0)
    def _core0():
        @pl.when(s == 0)
        def _():
            pltpu.sync_copy(zeros_hbm, v_sh)

        plsc.subcore_barrier()

        def deg_row(j, carry):
            pltpu.sync_copy(w_loc.at[j], v_sh.at[src_loc.at[j]], add=True)
            return carry

        lax.fori_loop(0, ROWS, deg_row, 0)
        plsc.subcore_barrier()

        @pl.when(s == 0)
        def _():
            pltpu.sync_copy(v_sh, out_hbm.at[0])

    @pl.when(c == 1)
    def _core1():
        pltpu.sync_copy(dst_hbm.at[s], dst_loc)

        @pl.when(s == 0)
        def _():
            pltpu.sync_copy(zeros_hbm, v_sh)

        plsc.subcore_barrier()

        inv_n = jnp.float32(1.0 / N)

        def p1_row(j, carry):
            for u in range(UNROLL):
                sl = pl.ds(u * 16, 16)
                msg_loc[j, sl] = w_loc[j, sl] * inv_n
            pltpu.sync_copy(msg_loc.at[j], v_sh.at[dst_loc.at[j]], add=True)
            return carry

        lax.fori_loop(0, ROWS, p1_row, 0)
        plsc.subcore_barrier()

        @pl.when(s == 0)
        def _():
            pltpu.sync_copy(v_sh, out_hbm.at[1])

        plsc.subcore_barrier()

        for k in (2, 3):
            pltpu.sync_copy(out_hbm.at[k - 1], u_loc)

            @pl.when(s == 0)
            def _():
                pltpu.sync_copy(zeros_hbm, v_sh)

            plsc.subcore_barrier()

            def pk_row(j, carry):
                for u in range(UNROLL):
                    sl = pl.ds(u * 16, 16)
                    g = plsc.load_gather(u_loc, [src_loc[j, sl]])
                    msg_loc[j, sl] = g * w_loc[j, sl]
                pltpu.sync_copy(msg_loc.at[j], v_sh.at[dst_loc.at[j]], add=True)
                return carry

            lax.fori_loop(0, ROWS, pk_row, 0)
            plsc.subcore_barrier()

            @pl.when(s == 0)
            def _(k=k):
                pltpu.sync_copy(v_sh, out_hbm.at[k])

            plsc.subcore_barrier()


_sc_passes = pl.kernel(
    _sc_body,
    out_type=jax.ShapeDtypeStruct((4, NPAD), jnp.float32),
    mesh=_MESH,
    scratch_types=[
        pltpu.VMEM((ROWS, ROW), jnp.int32),
        pltpu.VMEM((ROWS, ROW), jnp.int32),
        pltpu.VMEM((ROWS, ROW), jnp.float32),
        pltpu.VMEM((ROWS, ROW), jnp.float32),
        pltpu.VMEM((NPAD,), jnp.float32),
        pltpu.VMEM_SHARED((NPAD,), jnp.float32),
    ],
    compiler_params=pltpu.CompilerParams(needs_layout_passes=False),
)


def _tail_body(f_ref, o_ref):
    f = f_ref[...]
    cols = lax.broadcasted_iota(jnp.int32, (1, NPAD), 1)
    mask = (cols < N).astype(jnp.float32)

    deg = jnp.maximum(f[0:1, :], 1e-8)
    ldeg = jnp.log(deg)

    s1 = jnp.sum(f[1:2, :] * mask)
    s2 = jnp.sum(f[2:3, :] * mask)
    s3 = jnp.sum(f[3:4, :] * mask)
    c1 = jnp.maximum(s1, 1e-8)
    c2 = jnp.maximum(s2, 1e-8 * c1)
    c3 = jnp.maximum(s3, 1e-8 * c2)
    pr = f[3:4, :] / c3

    rows = []
    for xr in (deg, ldeg, pr):
        m = jnp.sum(xr * mask) / N
        d = (xr - m) * mask
        var = jnp.sum(d * d) / (N - 1)
        sd = jnp.sqrt(var)
        rows.append((xr - m) / jnp.maximum(sd, 1e-8))
    rows.append(jnp.zeros((1, NPAD), jnp.float32))
    o_ref[...] = jnp.concatenate(rows, axis=0)


_tail = pl.pallas_call(
    _tail_body,
    out_shape=jax.ShapeDtypeStruct((4, NPAD), jnp.float32),
)

_BLK = 1000


def _affine_body(s_ref, wt_ref, b_ref, o_ref):
    o_ref[...] = (
        jnp.dot(s_ref[...], wt_ref[...], preferred_element_type=jnp.float32)
        + b_ref[...]
    )


_affine = pl.pallas_call(
    _affine_body,
    grid=(N // _BLK,),
    in_specs=[
        pl.BlockSpec((_BLK, 4), lambda i: (i, 0)),
        pl.BlockSpec((4, DIM), lambda i: (0, 0)),
        pl.BlockSpec((1, DIM), lambda i: (0, 0)),
    ],
    out_specs=pl.BlockSpec((_BLK, DIM), lambda i: (i, 0)),
    out_shape=jax.ShapeDtypeStruct((N, DIM), jnp.float32),
)


def kernel(x, edge_index, edge_weight_norm, W, b):
    del x
    src = edge_index[0].astype(jnp.int32)
    dst = edge_index[1].astype(jnp.int32)
    w = edge_weight_norm.astype(jnp.float32)

    npad_edges = EPAD - E
    pad_idx = N + (jnp.arange(npad_edges, dtype=jnp.int32) % (NPAD - N))
    src_p = jnp.concatenate([src, pad_idx]).reshape(TILES, ROWS, ROW)
    dst_p = jnp.concatenate([dst, pad_idx]).reshape(TILES, ROWS, ROW)
    w_p = jnp.concatenate([w, jnp.zeros((npad_edges,), jnp.float32)]
                          ).reshape(TILES, ROWS, ROW)
    zeros = jnp.zeros((NPAD,), jnp.float32)

    feats = _sc_passes(src_p, dst_p, w_p, zeros)
    z = _tail(feats)
    s_mat = z.T[:N]
    wt4 = jnp.concatenate([W.T, jnp.zeros((1, DIM), jnp.float32)], axis=0)
    return _affine(s_mat, wt4, b.reshape(1, DIM))

# --- scband reference (transcript-rebuilt; emitter-appended) ---
"""Pipeline reference for scband-struct-encoder-38371237822905 (READ-ONLY COPY).

The authoritative reference and input builder live on the scoring server;
editing this copy changes nothing except your own understanding.
"""

import jax, jax.numpy as jnp
import numpy as np

N_NODES = 10000
N_EDGES = 320000
D_FEAT = 128
DIM = 128


def setup_inputs(seed: int = 0) -> dict:
    key = jax.random.key(seed)
    k1, k2, k3, k4, k5 = jax.random.split(key, 5)
    x = jax.random.normal(k1, (N_NODES, D_FEAT), dtype=jnp.float32)
    edge_index = jax.random.randint(k2, (2, N_EDGES), 0, N_NODES, dtype=jnp.int64)
    edge_weight_norm = jax.random.uniform(k3, (N_EDGES,), dtype=jnp.float32)
    # nn.Linear(3, dim) parameters
    bound = 1.0 / np.sqrt(3.0)
    W = jax.random.uniform(k4, (DIM, 3), minval=-bound, maxval=bound, dtype=jnp.float32)
    b = jax.random.uniform(k5, (DIM,), minval=-bound, maxval=bound, dtype=jnp.float32)
    return {"x": x, "edge_index": edge_index, "edge_weight_norm": edge_weight_norm, "W": W, "b": b}


def reference(x, edge_index, edge_weight_norm, W, b):
    N = x.shape[0]
    src = edge_index[0]
    dst = edge_index[1]
    # weighted degree via scatter-add on src
    deg = jnp.zeros((N,), dtype=x.dtype).at[src].add(edge_weight_norm)
    deg = jnp.maximum(deg, 1e-08)
    logdeg = jnp.log(deg)
    # simple PageRank: 3 steps of power iteration
    pr = jnp.full((N,), 1.0 / N, dtype=x.dtype)
    for _ in range(3):
        msg = pr[src] * edge_weight_norm
        pr = jnp.zeros((N,), dtype=x.dtype).at[dst].add(msg)
        pr = pr / jnp.maximum(pr.sum(), 1e-08)
    s = jnp.stack([deg, logdeg, pr], axis=-1)
    mean = jnp.mean(s, axis=0, keepdims=True)
    std = jnp.std(s, axis=0, keepdims=True, ddof=1)  # torch.std is unbiased
    s = (s - mean) / jnp.maximum(std, 1e-08)
    return s @ W.T + b

if __name__ == "__main__":
    import jax
    _d = setup_inputs()
    print(jax.jit(kernel)(*tuple(_d.values())))

</pallas_src>

<mosaic_0001>
#map = affine_map<(d0, d1) -> (0, 0, 0)>
#map1 = affine_map<(d0, d1) -> (0)>
#map2 = affine_map<(d0, d1) -> (0, 0)>
module attributes {stable_mosaic.version = 14 : i64} {
  func.func @_sc_body(%arg0: i32, %arg1: i32, %arg2: memref<16x157x128xi32, #tpu.memory_space<hbm>>, %arg3: memref<16x157x128xi32, #tpu.memory_space<hbm>>, %arg4: memref<16x157x128xf32, #tpu.memory_space<hbm>>, %arg5: memref<10240xf32, #tpu.memory_space<hbm>>, %arg6: memref<4x10240xf32, #tpu.memory_space<hbm>>, %arg7: memref<157x128xi32, #tpu.memory_space<vmem>>, %arg8: memref<157x128xi32, #tpu.memory_space<vmem>>, %arg9: memref<157x128xf32, #tpu.memory_space<vmem>>, %arg10: memref<157x128xf32, #tpu.memory_space<vmem>>, %arg11: memref<10240xf32, #tpu.memory_space<vmem>>, %arg12: memref<10240xf32, #tpu.memory_space<vmem_shared>>) attributes {dimension_semantics = [#tpu.dimension_semantics<core_parallel>, #tpu.dimension_semantics<subcore_parallel>], iteration_bounds = array<i64: 2, 16>, scalar_prefetch = 0 : i64, scratch_operands = 6 : i64, tpu.core_type = #tpu.core_type<sc_vector_subcore>, window_params = [{transform_indices = #map}, {transform_indices = #map}, {transform_indices = #map}, {transform_indices = #map1}, {transform_indices = #map2}]} {
    "tpu.region"() ({
      %run_scoped3A = tpu.sem_alloc : memref<!tpu.dma_semaphore, #tpu.memory_space<semaphore_mem>>
      %dma_start3A = arith.constant 0 : i32
      %dma_start3A_7 = arith.constant 0 : i32
      %dma_start3A_8 = tpu.memref_slice %arg2[%arg1, %dma_start3A, %dma_start3A_7] : memref<16x157x128xi32, #tpu.memory_space<hbm>> -> memref<1x157x128xi32, #tpu.memory_space<hbm>>
      %dma_start3A_9 = tpu.memref_squeeze %dma_start3A_8 : memref<1x157x128xi32, #tpu.memory_space<hbm>> -> memref<157x128xi32, #tpu.memory_space<hbm>>
      %dma_start3A_10 = arith.constant 0 : i32
      %dma_start3A_11 = arith.constant 0 : i32
      %dma_start3A_12 = tpu.memref_slice %arg2[%arg1, %dma_start3A_10, %dma_start3A_11] : memref<16x157x128xi32, #tpu.memory_space<hbm>> -> memref<1x157x128xi32, #tpu.memory_space<hbm>>
      %dma_start3A_13 = tpu.memref_squeeze %dma_start3A_12 : memref<1x157x128xi32, #tpu.memory_space<hbm>> -> memref<157x128xi32, #tpu.memory_space<hbm>>
      tpu.enqueue_dma source(%dma_start3A_13 : memref<157x128xi32, #tpu.memory_space<hbm>>) target(%arg7 : memref<157x128xi32, #tpu.memory_space<vmem>>) target_semaphore(%run_scoped3A : memref<!tpu.dma_semaphore, #tpu.memory_space<semaphore_mem>>)
      %dma_wait3A = arith.constant 0 : i32
      %dma_wait3A_14 = arith.constant 0 : i32
      %dma_wait3A_15 = tpu.memref_slice %arg2[%arg1, %dma_wait3A, %dma_wait3A_14] : memref<16x157x128xi32, #tpu.memory_space<hbm>> -> memref<1x157x128xi32, #tpu.memory_space<hbm>>
      %dma_wait3A_16 = tpu.memref_squeeze %dma_wait3A_15 : memref<1x157x128xi32, #tpu.memory_space<hbm>> -> memref<157x128xi32, #tpu.memory_space<hbm>>
      %dma_wait3A_17 = arith.constant 0 : i32
      %dma_wait3A_18 = arith.constant 0 : i32
      %dma_wait3A_19 = tpu.memref_slice %arg2[%arg1, %dma_wait3A_17, %dma_wait3A_18] : memref<16x157x128xi32, #tpu.memory_space<hbm>> -> memref<1x157x128xi32, #tpu.memory_space<hbm>>
      %dma_wait3A_20 = tpu.memref_squeeze %dma_wait3A_19 : memref<1x157x128xi32, #tpu.memory_space<hbm>> -> memref<157x128xi32, #tpu.memory_space<hbm>>
      tpu.wait_dma2 semaphore(%run_scoped3A : memref<!tpu.dma_semaphore, #tpu.memory_space<semaphore_mem>>) src(%dma_wait3A_20 : memref<157x128xi32, #tpu.memory_space<hbm>>) dst(%arg7 : memref<157x128xi32, #tpu.memory_space<vmem>>)
      tpu.yield
    }) : () -> ()
    "tpu.region"() ({
      %run_scoped3A = tpu.sem_alloc : memref<!tpu.dma_semaphore, #tpu.memory_space<semaphore_mem>>
      %dma_start3A = arith.constant 0 : i32
      %dma_start3A_7 = arith.constant 0 : i32
      %dma_start3A_8 = tpu.memref_slice %arg4[%arg1, %dma_start3A, %dma_start3A_7] : memref<16x157x128xf32, #tpu.memory_space<hbm>> -> memref<1x157x128xf32, #tpu.memory_space<hbm>>
      %dma_start3A_9 = tpu.memref_squeeze %dma_start3A_8 : memref<1x157x128xf32, #tpu.memory_space<hbm>> -> memref<157x128xf32, #tpu.memory_space<hbm>>
      %dma_start3A_10 = arith.constant 0 : i32
      %dma_start3A_11 = arith.constant 0 : i32
      %dma_start3A_12 = tpu.memref_slice %arg4[%arg1, %dma_start3A_10, %dma_start3A_11] : memref<16x157x128xf32, #tpu.memory_space<hbm>> -> memref<1x157x128xf32, #tpu.memory_space<hbm>>
      %dma_start3A_13 = tpu.memref_squeeze %dma_start3A_12 : memref<1x157x128xf32, #tpu.memory_space<hbm>> -> memref<157x128xf32, #tpu.memory_space<hbm>>
      tpu.enqueue_dma source(%dma_start3A_13 : memref<157x128xf32, #tpu.memory_space<hbm>>) target(%arg9 : memref<157x128xf32, #tpu.memory_space<vmem>>) target_semaphore(%run_scoped3A : memref<!tpu.dma_semaphore, #tpu.memory_space<semaphore_mem>>)
      %dma_wait3A = arith.constant 0 : i32
      %dma_wait3A_14 = arith.constant 0 : i32
      %dma_wait3A_15 = tpu.memref_slice %arg4[%arg1, %dma_wait3A, %dma_wait3A_14] : memref<16x157x128xf32, #tpu.memory_space<hbm>> -> memref<1x157x128xf32, #tpu.memory_space<hbm>>
      %dma_wait3A_16 = tpu.memref_squeeze %dma_wait3A_15 : memref<1x157x128xf32, #tpu.memory_space<hbm>> -> memref<157x128xf32, #tpu.memory_space<hbm>>
      %dma_wait3A_17 = arith.constant 0 : i32
      %dma_wait3A_18 = arith.constant 0 : i32
      %dma_wait3A_19 = tpu.memref_slice %arg4[%arg1, %dma_wait3A_17, %dma_wait3A_18] : memref<16x157x128xf32, #tpu.memory_space<hbm>> -> memref<1x157x128xf32, #tpu.memory_space<hbm>>
      %dma_wait3A_20 = tpu.memref_squeeze %dma_wait3A_19 : memref<1x157x128xf32, #tpu.memory_space<hbm>> -> memref<157x128xf32, #tpu.memory_space<hbm>>
      tpu.wait_dma2 semaphore(%run_scoped3A : memref<!tpu.dma_semaphore, #tpu.memory_space<semaphore_mem>>) src(%dma_wait3A_20 : memref<157x128xf32, #tpu.memory_space<hbm>>) dst(%arg9 : memref<157x128xf32, #tpu.memory_space<vmem>>)
      tpu.yield
    }) : () -> ()
    %eq3A = arith.constant 0 : i32
    %eq3A_0 = arith.cmpi eq, %arg0, %eq3A : i32
    %convert_element_type3A = arith.extui %eq3A_0 : i1 to i32
    %cond3A = arith.constant 0 : i32
    %cond3A_1 = arith.cmpi ne, %convert_element_type3A, %cond3A : i32
    scf.if %cond3A_1 {
      %eq3A_7 = arith.constant 0 : i32
      %eq3A_8 = arith.cmpi eq, %arg1, %eq3A_7 : i32
      %convert_element_type3A_9 = arith.extui %eq3A_8 : i1 to i32
      %cond3A_10 = arith.constant 0 : i32
      %cond3A_11 = arith.cmpi ne, %convert_element_type3A_9, %cond3A_10 : i32
      scf.if %cond3A_11 {
        "tpu.region"() ({
          %run_scoped3A = tpu.sem_alloc : memref<!tpu.dma_semaphore, #tpu.memory_space<semaphore_mem>>
          tpu.enqueue_dma source(%arg5 : memref<10240xf32, #tpu.memory_space<hbm>>) target(%arg12 : memref<10240xf32, #tpu.memory_space<vmem_shared>>) target_semaphore(%run_scoped3A : memref<!tpu.dma_semaphore, #tpu.memory_space<semaphore_mem>>)
          tpu.wait_dma2 semaphore(%run_scoped3A : memref<!tpu.dma_semaphore, #tpu.memory_space<semaphore_mem>>) src(%arg5 : memref<10240xf32, #tpu.memory_space<hbm>>) dst(%arg12 : memref<10240xf32, #tpu.memory_space<vmem_shared>>)
          tpu.yield
        }) : () -> ()
      } else {
      }
      %barrier3A = arith.constant 0 : index
      tpu.barrier barrier_id(%barrier3A)
      %scan3A = arith.constant 0 : i32
      %scan3A_12 = arith.constant 0 : i32
      %scan3A_13 = arith.constant 157 : i32
      %scan3A_14 = arith.addi %scan3A_12, %scan3A_13 : i32
      %scan3A_15 = arith.constant 1 : i32
      scf.for %scan3A_23 = %scan3A_12 to %scan3A_14 step %scan3A_15  : i32 {
        "tpu.region"() ({
          %run_scoped3A = tpu.sem_alloc : memref<!tpu.dma_semaphore, #tpu.memory_space<semaphore_mem>>
          %dma_start3A = arith.constant 0 : i32
          %dma_start3A_24 = tpu.memref_slice %arg9[%scan3A_23, %dma_start3A] : memref<157x128xf32, #tpu.memory_space<vmem>> -> memref<1x128xf32, #tpu.memory_space<vmem>>
          %dma_start3A_25 = tpu.memref_squeeze %dma_start3A_24 : memref<1x128xf32, #tpu.memory_space<vmem>> -> memref<128xf32, #tpu.memory_space<vmem>>
          %dma_start3A_26 = arith.constant 0 : i32
          %dma_start3A_27 = tpu.memref_slice %arg7[%scan3A_23, %dma_start3A_26] : memref<157x128xi32, #tpu.memory_space<vmem>> -> memref<1x128xi32, #tpu.memory_space<vmem>>
          %dma_start3A_28 = tpu.memref_squeeze %dma_start3A_27 : memref<1x128xi32, #tpu.memory_space<vmem>> -> memref<128xi32, #tpu.memory_space<vmem>>
          %dma_start3A_29 = arith.constant 0 : i32
          %dma_start3A_30 = tpu.memref_slice %arg12[%dma_start3A_29] : memref<10240xf32, #tpu.memory_space<vmem_shared>> -> memref<10240xf32, #tpu.memory_space<vmem_shared>>
          tpu.enqueue_indirect_dma source(%dma_start3A_25 : memref<128xf32, #tpu.memory_space<vmem>>) target(%dma_start3A_30 : memref<10240xf32, #tpu.memory_space<vmem_shared>>) offsets(%dma_start3A_28 : memref<128xi32, #tpu.memory_space<vmem>>) semaphore(%run_scoped3A : memref<!tpu.dma_semaphore, #tpu.memory_space<semaphore_mem>>) {add = true}
          %dma_wait3A = arith.constant 0 : i32
          %dma_wait3A_31 = tpu.memref_slice %arg9[%scan3A_23, %dma_wait3A] : memref<157x128xf32, #tpu.memory_space<vmem>> -> memref<1x128xf32, #tpu.memory_space<vmem>>
          %dma_wait3A_32 = tpu.memref_squeeze %dma_wait3A_31 : memref<1x128xf32, #tpu.memory_space<vmem>> -> memref<128xf32, #tpu.memory_space<vmem>>
          %dma_wait3A_33 = arith.constant 0 : i32
          %dma_wait3A_34 = tpu.memref_slice %arg7[%scan3A_23, %dma_wait3A_33] : memref<157x128xi32, #tpu.memory_space<vmem>> -> memref<1x128xi32, #tpu.memory_space<vmem>>
          %dma_wait3A_35 = tpu.memref_squeeze %dma_wait3A_34 : memref<1x128xi32, #tpu.memory_space<vmem>> -> memref<128xi32, #tpu.memory_space<vmem>>
          %dma_wait3A_36 = arith.constant 0 : i32
          %dma_wait3A_37 = tpu.memref_slice %arg12[%dma_wait3A_36] : memref<10240xf32, #tpu.memory_space<vmem_shared>> -> memref<10240xf32, #tpu.memory_space<vmem_shared>>
          tpu.wait_indirect_dma semaphore(%run_scoped3A : memref<!tpu.dma_semaphore, #tpu.memory_space<semaphore_mem>>) src(%dma_wait3A_32 : memref<128xf32, #tpu.memory_space<vmem>>) dst(%dma_wait3A_37 : memref<10240xf32, #tpu.memory_space<vmem_shared>>)
          tpu.yield
        }) : () -> ()
      }
      %scan3A_16 = arith.constant 157 : i32
      %barrier3A_17 = arith.constant 0 : index
      tpu.barrier barrier_id(%barrier3A_17)
      %eq3A_18 = arith.constant 0 : i32
      %eq3A_19 = arith.cmpi eq, %arg1, %eq3A_18 : i32
      %convert_element_type3A_20 = arith.extui %eq3A_19 : i1 to i32
      %cond3A_21 = arith.constant 0 : i32
      %cond3A_22 = arith.cmpi ne, %convert_element_type3A_20, %cond3A_21 : i32
      scf.if %cond3A_22 {
        %run_scoped3A = arith.constant 0 : i32
        "tpu.region"() ({
          %run_scoped3A_23 = tpu.sem_alloc : memref<!tpu.dma_semaphore, #tpu.memory_space<semaphore_mem>>
          %dma_start3A = arith.constant 0 : i32
          %dma_start3A_24 = tpu.memref_slice %arg6[%run_scoped3A, %dma_start3A] : memref<4x10240xf32, #tpu.memory_space<hbm>> -> memref<1x10240xf32, #tpu.memory_space<hbm>>
          %dma_start3A_25 = tpu.memref_squeeze %dma_start3A_24 : memref<1x10240xf32, #tpu.memory_space<hbm>> -> memref<10240xf32, #tpu.memory_space<hbm>>
          tpu.enqueue_dma source(%arg12 : memref<10240xf32, #tpu.memory_space<vmem_shared>>) target(%dma_start3A_25 : memref<10240xf32, #tpu.memory_space<hbm>>) target_semaphore(%run_scoped3A_23 : memref<!tpu.dma_semaphore, #tpu.memory_space<semaphore_mem>>)
          %dma_wait3A = arith.constant 0 : i32
          %dma_wait3A_26 = tpu.memref_slice %arg6[%run_scoped3A, %dma_wait3A] : memref<4x10240xf32, #tpu.memory_space<hbm>> -> memref<1x10240xf32, #tpu.memory_space<hbm>>
          %dma_wait3A_27 = tpu.memref_squeeze %dma_wait3A_26 : memref<1x10240xf32, #tpu.memory_space<hbm>> -> memref<10240xf32, #tpu.memory_space<hbm>>
          tpu.wait_dma2 semaphore(%run_scoped3A_23 : memref<!tpu.dma_semaphore, #tpu.memory_space<semaphore_mem>>) src(%arg12 : memref<10240xf32, #tpu.memory_space<vmem_shared>>) dst(%dma_wait3A_27 : memref<10240xf32, #tpu.memory_space<hbm>>)
          tpu.yield
        }) : () -> ()
      } else {
      }
    } else {
    }
    %eq3A_2 = arith.constant 1 : i32
    %eq3A_3 = arith.cmpi eq, %arg0, %eq3A_2 : i32
    %convert_element_type3A_4 = arith.extui %eq3A_3 : i1 to i32
    %cond3A_5 = arith.constant 0 : i32
    %cond3A_6 = arith.cmpi ne, %convert_element_type3A_4, %cond3A_5 : i32
    scf.if %cond3A_6 {
      "tpu.region"() ({
        %run_scoped3A_64 = tpu.sem_alloc : memref<!tpu.dma_semaphore, #tpu.memory_space<semaphore_mem>>
        %dma_start3A = arith.constant 0 : i32
        %dma_start3A_65 = arith.constant 0 : i32
        %dma_start3A_66 = tpu.memref_slice %arg3[%arg1, %dma_start3A, %dma_start3A_65] : memref<16x157x128xi32, #tpu.memory_space<hbm>> -> memref<1x157x128xi32, #tpu.memory_space<hbm>>
        %dma_start3A_67 = tpu.memref_squeeze %dma_start3A_66 : memref<1x157x128xi32, #tpu.memory_space<hbm>> -> memref<157x128xi32, #tpu.memory_space<hbm>>
        %dma_start3A_68 = arith.constant 0 : i32
        %dma_start3A_69 = arith.constant 0 : i32
        %dma_start3A_70 = tpu.memref_slice %arg3[%arg1, %dma_start3A_68, %dma_start3A_69] : memref<16x157x128xi32, #tpu.memory_space<hbm>> -> memref<1x157x128xi32, #tpu.memory_space<hbm>>
        %dma_start3A_71 = tpu.memref_squeeze %dma_start3A_70 : memref<1x157x128xi32, #tpu.memory_space<hbm>> -> memref<157x128xi32, #tpu.memory_space<hbm>>
        tpu.enqueue_dma source(%dma_start3A_71 : memref<157x128xi32, #tpu.memory_space<hbm>>) target(%arg8 : memref<157x128xi32, #tpu.memory_space<vmem>>) target_semaphore(%run_scoped3A_64 : memref<!tpu.dma_semaphore, #tpu.memory_space<semaphore_mem>>)
        %dma_wait3A = arith.constant 0 : i32
        %dma_wait3A_72 = arith.constant 0 : i32
        %dma_wait3A_73 = tpu.memref_slice %arg3[%arg1, %dma_wait3A, %dma_wait3A_72] : memref<16x157x128xi32, #tpu.memory_space<hbm>> -> memref<1x157x128xi32, #tpu.memory_space<hbm>>
        %dma_wait3A_74 = tpu.memref_squeeze %dma_wait3A_73 : memref<1x157x128xi32, #tpu.memory_space<hbm>> -> memref<157x128xi32, #tpu.memory_space<hbm>>
        %dma_wait3A_75 = arith.constant 0 : i32
        %dma_wait3A_76 = arith.constant 0 : i32
        %dma_wait3A_77 = tpu.memref_slice %arg3[%arg1, %dma_wait3A_75, %dma_wait3A_76] : memref<16x157x128xi32, #tpu.memory_space<hbm>> -> memref<1x157x128xi32, #tpu.memory_space<hbm>>
        %dma_wait3A_78 = tpu.memref_squeeze %dma_wait3A_77 : memref<1x157x128xi32, #tpu.memory_space<hbm>> -> memref<157x128xi32, #tpu.memory_space<hbm>>
        tpu.wait_dma2 semaphore(%run_scoped3A_64 : memref<!tpu.dma_semaphore, #tpu.memory_space<semaphore_mem>>) src(%dma_wait3A_78 : memref<157x128xi32, #tpu.memory_space<hbm>>) dst(%arg8 : memref<157x128xi32, #tpu.memory_space<vmem>>)
        tpu.yield
      }) : () -> ()
      %eq3A_7 = arith.constant 0 : i32
      %eq3A_8 = arith.cmpi eq, %arg1, %eq3A_7 : i32
      %convert_element_type3A_9 = arith.extui %eq3A_8 : i1 to i32
      %cond3A_10 = arith.constant 0 : i32
      %cond3A_11 = arith.cmpi ne, %convert_element_type3A_9, %cond3A_10 : i32
      scf.if %cond3A_11 {
        "tpu.region"() ({
          %run_scoped3A_64 = tpu.sem_alloc : memref<!tpu.dma_semaphore, #tpu.memory_space<semaphore_mem>>
          tpu.enqueue_dma source(%arg5 : memref<10240xf32, #tpu.memory_space<hbm>>) target(%arg12 : memref<10240xf32, #tpu.memory_space<vmem_shared>>) target_semaphore(%run_scoped3A_64 : memref<!tpu.dma_semaphore, #tpu.memory_space<semaphore_mem>>)
          tpu.wait_dma2 semaphore(%run_scoped3A_64 : memref<!tpu.dma_semaphore, #tpu.memory_space<semaphore_mem>>) src(%arg5 : memref<10240xf32, #tpu.memory_space<hbm>>) dst(%arg12 : memref<10240xf32, #tpu.memory_space<vmem_shared>>)
          tpu.yield
        }) : () -> ()
      } else {
      }
      %barrier3A = arith.constant 0 : index
      tpu.barrier barrier_id(%barrier3A)
      %scan3A = arith.constant 0 : i32
      %scan3A_12 = arith.constant 9.99999974E-5 : f32
      %scan3A_13 = arith.constant 0 : i32
      %scan3A_14 = arith.constant 157 : i32
      %scan3A_15 = arith.addi %scan3A_13, %scan3A_14 : i32
      %scan3A_16 = arith.constant 1 : i32
      scf.for %scan3A_64 = %scan3A_13 to %scan3A_15 step %scan3A_16  : i32 {
        %get3A = arith.index_cast %scan3A_64 : i32 to index
        %get3A_65 = arith.constant 0 : index
        %get3A_66 = tpu.vector_load %arg9[%get3A, %get3A_65] {strides = array<i32>} : memref<157x128xf32, #tpu.memory_space<vmem>>, vector<16xf32>,
        %mul3A = vector.broadcast %scan3A_12 : f32 to vector<16xf32>
        %mul3A_67 = arith.mulf %get3A_66, %mul3A : vector<16xf32>
        %swap3A = arith.index_cast %scan3A_64 : i32 to index
        %swap3A_68 = arith.constant 0 : index
        %swap3A_69 = tpu.vector_load %arg10[%swap3A, %swap3A_68] {strides = array<i32>} : memref<157x128xf32, #tpu.memory_space<vmem>>, vector<16xf32>,
        tpu.vector_store %arg10[%swap3A, %swap3A_68], %mul3A_67 {strides = array<i32>} : memref<157x128xf32, #tpu.memory_space<vmem>>, vector<16xf32>,
        %get3A_70 = arith.index_cast %scan3A_64 : i32 to index
        %get3A_71 = arith.constant 16 : index
        %get3A_72 = tpu.vector_load %arg9[%get3A_70, %get3A_71] {strides = array<i32>} : memref<157x128xf32, #tpu.memory_space<vmem>>, vector<16xf32>,
        %mul3A_73 = vector.broadcast %scan3A_12 : f32 to vector<16xf32>
        %mul3A_74 = arith.mulf %get3A_72, %mul3A_73 : vector<16xf32>
        %swap3A_75 = arith.index_cast %scan3A_64 : i32 to index
        %swap3A_76 = arith.constant 16 : index
        %swap3A_77 = tpu.vector_load %arg10[%swap3A_75, %swap3A_76] {strides = array<i32>} : memref<157x128xf32, #tpu.memory_space<vmem>>, vector<16xf32>,
        tpu.vector_store %arg10[%swap3A_75, %swap3A_76], %mul3A_74 {strides = array<i32>} : memref<157x128xf32, #tpu.memory_space<vmem>>, vector<16xf32>,
        %get3A_78 = arith.index_cast %scan3A_64 : i32 to index
        %get3A_79 = arith.constant 32 : index
        %get3A_80 = tpu.vector_load %arg9[%get3A_78, %get3A_79] {strides = array<i32>} : memref<157x128xf32, #tpu.memory_space<vmem>>, vector<16xf32>,
        %mul3A_81 = vector.broadcast %scan3A_12 : f32 to vector<16xf32>
        %mul3A_82 = arith.mulf %get3A_80, %mul3A_81 : vector<16xf32>
        %swap3A_83 = arith.index_cast %scan3A_64 : i32 to index
        %swap3A_84 = arith.constant 32 : index
        %swap3A_85 = tpu.vector_load %arg10[%swap3A_83, %swap3A_84] {strides = array<i32>} : memref<157x128xf32, #tpu.memory_space<vmem>>, vector<16xf32>,
        tpu.vector_store %arg10[%swap3A_83, %swap3A_84], %mul3A_82 {strides = array<i32>} : memref<157x128xf32, #tpu.memory_space<vmem>>, vector<16xf32>,
        %get3A_86 = arith.index_cast %scan3A_64 : i32 to index
        %get3A_87 = arith.constant 48 : index
        %get3A_88 = tpu.vector_load %arg9[%get3A_86, %get3A_87] {strides = array<i32>} : memref<157x128xf32, #tpu.memory_space<vmem>>, vector<16xf32>,
        %mul3A_89 = vector.broadcast %scan3A_12 : f32 to vector<16xf32>
        %mul3A_90 = arith.mulf %get3A_88, %mul3A_89 : vector<16xf32>
        %swap3A_91 = arith.index_cast %scan3A_64 : i32 to index
        %swap3A_92 = arith.constant 48 : index
        %swap3A_93 = tpu.vector_load %arg10[%swap3A_91, %swap3A_92] {strides = array<i32>} : memref<157x128xf32, #tpu.memory_space<vmem>>, vector<16xf32>,
        tpu.vector_store %arg10[%swap3A_91, %swap3A_92], %mul3A_90 {strides = array<i32>} : memref<157x128xf32, #tpu.memory_space<vmem>>, vector<16xf32>,
        %get3A_94 = arith.index_cast %scan3A_64 : i32 to index
        %get3A_95 = arith.constant 64 : index
        %get3A_96 = tpu.vector_load %arg9[%get3A_94, %get3A_95] {strides = array<i32>} : memref<157x128xf32, #tpu.memory_space<vmem>>, vector<16xf32>,
        %mul3A_97 = vector.broadcast %scan3A_12 : f32 to vector<16xf32>
        %mul3A_98 = arith.mulf %get3A_96, %mul3A_97 : vector<16xf32>
        %swap3A_99 = arith.index_cast %scan3A_64 : i32 to index
        %swap3A_100 = arith.constant 64 : index
        %swap3A_101 = tpu.vector_load %arg10[%swap3A_99, %swap3A_100] {strides = array<i32>} : memref<157x128xf32, #tpu.memory_space<vmem>>, vector<16xf32>,
        tpu.vector_store %arg10[%swap3A_99, %swap3A_100], %mul3A_98 {strides = array<i32>} : memref<157x128xf32, #tpu.memory_space<vmem>>, vector<16xf32>,
        %get3A_102 = arith.index_cast %scan3A_64 : i32 to index
        %get3A_103 = arith.constant 80 : index
        %get3A_104 = tpu.vector_load %arg9[%get3A_102, %get3A_103] {strides = array<i32>} : memref<157x128xf32, #tpu.memory_space<vmem>>, vector<16xf32>,
        %mul3A_105 = vector.broadcast %scan3A_12 : f32 to vector<16xf32>
        %mul3A_106 = arith.mulf %get3A_104, %mul3A_105 : vector<16xf32>
        %swap3A_107 = arith.index_cast %scan3A_64 : i32 to index
        %swap3A_108 = arith.constant 80 : index
        %swap3A_109 = tpu.vector_load %arg10[%swap3A_107, %swap3A_108] {strides = array<i32>} : memref<157x128xf32, #tpu.memory_space<vmem>>, vector<16xf32>,
        tpu.vector_store %arg10[%swap3A_107, %swap3A_108], %mul3A_106 {strides = array<i32>} : memref<157x128xf32, #tpu.memory_space<vmem>>, vector<16xf32>,
        %get3A_110 = arith.index_cast %scan3A_64 : i32 to index
        %get3A_111 = arith.constant 96 : index
        %get3A_112 = tpu.vector_load %arg9[%get3A_110, %get3A_111] {strides = array<i32>} : memref<157x128xf32, #tpu.memory_space<vmem>>, vector<16xf32>,
        %mul3A_113 = vector.broadcast %scan3A_12 : f32 to vector<16xf32>
        %mul3A_114 = arith.mulf %get3A_112, %mul3A_113 : vector<16xf32>
        %swap3A_115 = arith.index_cast %scan3A_64 : i32 to index
        %swap3A_116 = arith.constant 96 : index
        %swap3A_117 = tpu.vector_load %arg10[%swap3A_115, %swap3A_116] {strides = array<i32>} : memref<157x128xf32, #tpu.memory_space<vmem>>, vector<16xf32>,
        tpu.vector_store %arg10[%swap3A_115, %swap3A_116], %mul3A_114 {strides = array<i32>} : memref<157x128xf32, #tpu.memory_space<vmem>>, vector<16xf32>,
        %get3A_118 = arith.index_cast %scan3A_64 : i32 to index
        %get3A_119 = arith.constant 112 : index
        %get3A_120 = tpu.vector_load %arg9[%get3A_118, %get3A_119] {strides = array<i32>} : memref<157x128xf32, #tpu.memory_space<vmem>>, vector<16xf32>,
        %mul3A_121 = vector.broadcast %scan3A_12 : f32 to vector<16xf32>
        %mul3A_122 = arith.mulf %get3A_120, %mul3A_121 : vector<16xf32>
        %swap3A_123 = arith.index_cast %scan3A_64 : i32 to index
        %swap3A_124 = arith.constant 112 : index
        %swap3A_125 = tpu.vector_load %arg10[%swap3A_123, %swap3A_124] {strides = array<i32>} : memref<157x128xf32, #tpu.memory_space<vmem>>, vector<16xf32>,
        tpu.vector_store %arg10[%swap3A_123, %swap3A_124], %mul3A_122 {strides = array<i32>} : memref<157x128xf32, #tpu.memory_space<vmem>>, vector<16xf32>,
        "tpu.region"() ({
          %run_scoped3A_126 = tpu.sem_alloc : memref<!tpu.dma_semaphore, #tpu.memory_space<semaphore_mem>>
          %dma_start3A = arith.constant 0 : i32
          %dma_start3A_127 = tpu.memref_slice %arg10[%scan3A_64, %dma_start3A] : memref<157x128xf32, #tpu.memory_space<vmem>> -> memref<1x128xf32, #tpu.memory_space<vmem>>
          %dma_start3A_128 = tpu.memref_squeeze %dma_start3A_127 : memref<1x128xf32, #tpu.memory_space<vmem>> -> memref<128xf32, #tpu.memory_space<vmem>>
          %dma_start3A_129 = arith.constant 0 : i32
          %dma_start3A_130 = tpu.memref_slice %arg8[%scan3A_64, %dma_start3A_129] : memref<157x128xi32, #tpu.memory_space<vmem>> -> memref<1x128xi32, #tpu.memory_space<vmem>>
          %dma_start3A_131 = tpu.memref_squeeze %dma_start3A_130 : memref<1x128xi32, #tpu.memory_space<vmem>> -> memref<128xi32, #tpu.memory_space<vmem>>
          %dma_start3A_132 = arith.constant 0 : i32
          %dma_start3A_133 = tpu.memref_slice %arg12[%dma_start3A_132] : memref<10240xf32, #tpu.memory_space<vmem_shared>> -> memref<10240xf32, #tpu.memory_space<vmem_shared>>
          tpu.enqueue_indirect_dma source(%dma_start3A_128 : memref<128xf32, #tpu.memory_space<vmem>>) target(%dma_start3A_133 : memref<10240xf32, #tpu.memory_space<vmem_shared>>) offsets(%dma_start3A_131 : memref<128xi32, #tpu.memory_space<vmem>>) semaphore(%run_scoped3A_126 : memref<!tpu.dma_semaphore, #tpu.memory_space<semaphore_mem>>) {add = true}
          %dma_wait3A = arith.constant 0 : i32
          %dma_wait3A_134 = tpu.memref_slice %arg10[%scan3A_64, %dma_wait3A] : memref<157x128xf32, #tpu.memory_space<vmem>> -> memref<1x128xf32, #tpu.memory_space<vmem>>
          %dma_wait3A_135 = tpu.memref_squeeze %dma_wait3A_134 : memref<1x128xf32, #tpu.memory_space<vmem>> -> memref<128xf32, #tpu.memory_space<vmem>>
          %dma_wait3A_136 = arith.constant 0 : i32
          %dma_wait3A_137 = tpu.memref_slice %arg8[%scan3A_64, %dma_wait3A_136] : memref<157x128xi32, #tpu.memory_space<vmem>> -> memref<1x128xi32, #tpu.memory_space<vmem>>
          %dma_wait3A_138 = tpu.memref_squeeze %dma_wait3A_137 : memref<1x128xi32, #tpu.memory_space<vmem>> -> memref<128xi32, #tpu.memory_space<vmem>>
          %dma_wait3A_139 = arith.constant 0 : i32
          %dma_wait3A_140 = tpu.memref_slice %arg12[%dma_wait3A_139] : memref<10240xf32, #tpu.memory_space<vmem_shared>> -> memref<10240xf32, #tpu.memory_space<vmem_shared>>
          tpu.wait_indirect_dma semaphore(%run_scoped3A_126 : memref<!tpu.dma_semaphore, #tpu.memory_space<semaphore_mem>>) src(%dma_wait3A_135 : memref<128xf32, #tpu.memory_space<vmem>>) dst(%dma_wait3A_140 : memref<10240xf32, #tpu.memory_space<vmem_shared>>)
          tpu.yield
        }) : () -> ()
      }
      %scan3A_17 = arith.constant 157 : i32
      %barrier3A_18 = arith.constant 0 : index
      tpu.barrier barrier_id(%barrier3A_18)
      %eq3A_19 = arith.constant 0 : i32
      %eq3A_20 = arith.cmpi eq, %arg1, %eq3A_19 : i32
      %convert_element_type3A_21 = arith.extui %eq3A_20 : i1 to i32
      %cond3A_22 = arith.constant 0 : i32
      %cond3A_23 = arith.cmpi ne, %convert_element_type3A_21, %cond3A_22 : i32
      scf.if %cond3A_23 {
        %run_scoped3A_64 = arith.constant 1 : i32
        "tpu.region"() ({
          %run_scoped3A_65 = tpu.sem_alloc : memref<!tpu.dma_semaphore, #tpu.memory_space<semaphore_mem>>
          %dma_start3A = arith.constant 0 : i32
          %dma_start3A_66 = tpu.memref_slice %arg6[%run_scoped3A_64, %dma_start3A] : memref<4x10240xf32, #tpu.memory_space<hbm>> -> memref<1x10240xf32, #tpu.memory_space<hbm>>
          %dma_start3A_67 = tpu.memref_squeeze %dma_start3A_66 : memref<1x10240xf32, #tpu.memory_space<hbm>> -> memref<10240xf32, #tpu.memory_space<hbm>>
          tpu.enqueue_dma source(%arg12 : memref<10240xf32, #tpu.memory_space<vmem_shared>>) target(%dma_start3A_67 : memref<10240xf32, #tpu.memory_space<hbm>>) target_semaphore(%run_scoped3A_65 : memref<!tpu.dma_semaphore, #tpu.memory_space<semaphore_mem>>)
          %dma_wait3A = arith.constant 0 : i32
          %dma_wait3A_68 = tpu.memref_slice %arg6[%run_scoped3A_64, %dma_wait3A] : memref<4x10240xf32, #tpu.memory_space<hbm>> -> memref<1x10240xf32, #tpu.memory_space<hbm>>
          %dma_wait3A_69 = tpu.memref_squeeze %dma_wait3A_68 : memref<1x10240xf32, #tpu.memory_space<hbm>> -> memref<10240xf32, #tpu.memory_space<hbm>>
          tpu.wait_dma2 semaphore(%run_scoped3A_65 : memref<!tpu.dma_semaphore, #tpu.memory_space<semaphore_mem>>) src(%arg12 : memref<10240xf32, #tpu.memory_space<vmem_shared>>) dst(%dma_wait3A_69 : memref<10240xf32, #tpu.memory_space<hbm>>)
          tpu.yield
        }) : () -> ()
      } else {
      }
      %barrier3A_24 = arith.constant 0 : index
      tpu.barrier barrier_id(%barrier3A_24)
      %run_scoped3A = arith.constant 1 : i32
      "tpu.region"() ({
        %run_scoped3A_64 = tpu.sem_alloc : memref<!tpu.dma_semaphore, #tpu.memory_space<semaphore_mem>>
        %dma_start3A = arith.constant 0 : i32
        %dma_start3A_65 = tpu.memref_slice %arg6[%run_scoped3A, %dma_start3A] : memref<4x10240xf32, #tpu.memory_space<hbm>> -> memref<1x10240xf32, #tpu.memory_space<hbm>>
        %dma_start3A_66 = tpu.memref_squeeze %dma_start3A_65 : memref<1x10240xf32, #tpu.memory_space<hbm>> -> memref<10240xf32, #tpu.memory_space<hbm>>
        %dma_start3A_67 = arith.constant 0 : i32
        %dma_start3A_68 = tpu.memref_slice %arg6[%run_scoped3A, %dma_start3A_67] : memref<4x10240xf32, #tpu.memory_space<hbm>> -> memref<1x10240xf32, #tpu.memory_space<hbm>>
        %dma_start3A_69 = tpu.memref_squeeze %dma_start3A_68 : memref<1x10240xf32, #tpu.memory_space<hbm>> -> memref<10240xf32, #tpu.memory_space<hbm>>
        tpu.enqueue_dma source(%dma_start3A_69 : memref<10240xf32, #tpu.memory_space<hbm>>) target(%arg11 : memref<10240xf32, #tpu.memory_space<vmem>>) target_semaphore(%run_scoped3A_64 : memref<!tpu.dma_semaphore, #tpu.memory_space<semaphore_mem>>)
        %dma_wait3A = arith.constant 0 : i32
        %dma_wait3A_70 = tpu.memref_slice %arg6[%run_scoped3A, %dma_wait3A] : memref<4x10240xf32, #tpu.memory_space<hbm>> -> memref<1x10240xf32, #tpu.memory_space<hbm>>
        %dma_wait3A_71 = tpu.memref_squeeze %dma_wait3A_70 : memref<1x10240xf32, #tpu.memory_space<hbm>> -> memref<10240xf32, #tpu.memory_space<hbm>>
        %dma_wait3A_72 = arith.constant 0 : i32
        %dma_wait3A_73 = tpu.memref_slice %arg6[%run_scoped3A, %dma_wait3A_72] : memref<4x10240xf32, #tpu.memory_space<hbm>> -> memref<1x10240xf32, #tpu.memory_space<hbm>>
        %dma_wait3A_74 = tpu.memref_squeeze %dma_wait3A_73 : memref<1x10240xf32, #tpu.memory_space<hbm>> -> memref<10240xf32, #tpu.memory_space<hbm>>
        tpu.wait_dma2 semaphore(%run_scoped3A_64 : memref<!tpu.dma_semaphore, #tpu.memory_space<semaphore_mem>>) src(%dma_wait3A_74 : memref<10240xf32, #tpu.memory_space<hbm>>) dst(%arg11 : memref<10240xf32, #tpu.memory_space<vmem>>)
        tpu.yield
      }) : () -> ()
      %eq3A_25 = arith.constant 0 : i32
      %eq3A_26 = arith.cmpi eq, %arg1, %eq3A_25 : i32
      %convert_element_type3A_27 = arith.extui %eq3A_26 : i1 to i32
      %cond3A_28 = arith.constant 0 : i32
      %cond3A_29 = arith.cmpi ne, %convert_element_type3A_27, %cond3A_28 : i32
      scf.if %cond3A_29 {
        "tpu.region"() ({
          %run_scoped3A_64 = tpu.sem_alloc : memref<!tpu.dma_semaphore, #tpu.memory_space<semaphore_mem>>
          tpu.enqueue_dma source(%arg5 : memref<10240xf32, #tpu.memory_space<hbm>>) target(%arg12 : memref<10240xf32, #tpu.memory_space<vmem_shared>>) target_semaphore(%run_scoped3A_64 : memref<!tpu.dma_semaphore, #tpu.memory_space<semaphore_mem>>)
          tpu.wait_dma2 semaphore(%run_scoped3A_64 : memref<!tpu.dma_semaphore, #tpu.memory_space<semaphore_mem>>) src(%arg5 : memref<10240xf32, #tpu.memory_space<hbm>>) dst(%arg12 : memref<10240xf32, #tpu.memory_space<vmem_shared>>)
          tpu.yield
        }) : () -> ()
      } else {
      }
      %barrier3A_30 = arith.constant 0 : index
      tpu.barrier barrier_id(%barrier3A_30)
      %scan3A_31 = arith.constant 0 : i32
      %scan3A_32 = arith.constant 0 : i32
      %scan3A_33 = arith.constant 157 : i32
      %scan3A_34 = arith.addi %scan3A_32, %scan3A_33 : i32
      %scan3A_35 = arith.constant 1 : i32
      scf.for %scan3A_64 = %scan3A_32 to %scan3A_34 step %scan3A_35  : i32 {
        %get3A = arith.index_cast %scan3A_64 : i32 to index
        %get3A_65 = arith.constant 0 : index
        %get3A_66 = tpu.vector_load %arg7[%get3A, %get3A_65] {strides = array<i32>} : memref<157x128xi32, #tpu.memory_space<vmem>>, vector<16xi32>,
        %gather3A = tpu.vector_load_idx %arg11[%get3A_66] : memref<10240xf32, #tpu.memory_space<vmem>>[vector<16xi32>], vector<16xf32>,
        %get3A_67 = arith.index_cast %scan3A_64 : i32 to index
        %get3A_68 = arith.constant 0 : index
        %get3A_69 = tpu.vector_load %arg9[%get3A_67, %get3A_68] {strides = array<i32>} : memref<157x128xf32, #tpu.memory_space<vmem>>, vector<16xf32>,
        %mul3A = arith.mulf %gather3A, %get3A_69 : vector<16xf32>
        %swap3A = arith.index_cast %scan3A_64 : i32 to index
        %swap3A_70 = arith.constant 0 : index
        %swap3A_71 = tpu.vector_load %arg10[%swap3A, %swap3A_70] {strides = array<i32>} : memref<157x128xf32, #tpu.memory_space<vmem>>, vector<16xf32>,
        tpu.vector_store %arg10[%swap3A, %swap3A_70], %mul3A {strides = array<i32>} : memref<157x128xf32, #tpu.memory_space<vmem>>, vector<16xf32>,
        %get3A_72 = arith.index_cast %scan3A_64 : i32 to index
        %get3A_73 = arith.constant 16 : index
        %get3A_74 = tpu.vector_load %arg7[%get3A_72, %get3A_73] {strides = array<i32>} : memref<157x128xi32, #tpu.memory_space<vmem>>, vector<16xi32>,
        %gather3A_75 = tpu.vector_load_idx %arg11[%get3A_74] : memref<10240xf32, #tpu.memory_space<vmem>>[vector<16xi32>], vector<16xf32>,
        %get3A_76 = arith.index_cast %scan3A_64 : i32 to index
        %get3A_77 = arith.constant 16 : index
        %get3A_78 = tpu.vector_load %arg9[%get3A_76, %get3A_77] {strides = array<i32>} : memref<157x128xf32, #tpu.memory_space<vmem>>, vector<16xf32>,
        %mul3A_79 = arith.mulf %gather3A_75, %get3A_78 : vector<16xf32>
        %swap3A_80 = arith.index_cast %scan3A_64 : i32 to index
        %swap3A_81 = arith.constant 16 : index
        %swap3A_82 = tpu.vector_load %arg10[%swap3A_80, %swap3A_81] {strides = array<i32>} : memref<157x128xf32, #tpu.memory_space<vmem>>, vector<16xf32>,
        tpu.vector_store %arg10[%swap3A_80, %swap3A_81], %mul3A_79 {strides = array<i32>} : memref<157x128xf32, #tpu.memory_space<vmem>>, vector<16xf32>,
        %get3A_83 = arith.index_cast %scan3A_64 : i32 to index
        %get3A_84 = arith.constant 32 : index
        %get3A_85 = tpu.vector_load %arg7[%get3A_83, %get3A_84] {strides = array<i32>} : memref<157x128xi32, #tpu.memory_space<vmem>>, vector<16xi32>,
        %gather3A_86 = tpu.vector_load_idx %arg11[%get3A_85] : memref<10240xf32, #tpu.memory_space<vmem>>[vector<16xi32>], vector<16xf32>,
        %get3A_87 = arith.index_cast %scan3A_64 : i32 to index
        %get3A_88 = arith.constant 32 : index
        %get3A_89 = tpu.vector_load %arg9[%get3A_87, %get3A_88] {strides = array<i32>} : memref<157x128xf32, #tpu.memory_space<vmem>>, vector<16xf32>,
        %mul3A_90 = arith.mulf %gather3A_86, %get3A_89 : vector<16xf32>
        %swap3A_91 = arith.index_cast %scan3A_64 : i32 to index
        %swap3A_92 = arith.constant 32 : index
        %swap3A_93 = tpu.vector_load %arg10[%swap3A_91, %swap3A_92] {strides = array<i32>} : memref<157x128xf32, #tpu.memory_space<vmem>>, vector<16xf32>,
        tpu.vector_store %arg10[%swap3A_91, %swap3A_92], %mul3A_90 {strides = array<i32>} : memref<157x128xf32, #tpu.memory_space<vmem>>, vector<16xf32>,
        %get3A_94 = arith.index_cast %scan3A_64 : i32 to index
        %get3A_95 = arith.constant 48 : index
        %get3A_96 = tpu.vector_load %arg7[%get3A_94, %get3A_95] {strides = array<i32>} : memref<157x128xi32, #tpu.memory_space<vmem>>, vector<16xi32>,
        %gather3A_97 = tpu.vector_load_idx %arg11[%get3A_96] : memref<10240xf32, #tpu.memory_space<vmem>>[vector<16xi32>], vector<16xf32>,
        %get3A_98 = arith.index_cast %scan3A_64 : i32 to index
        %get3A_99 = arith.constant 48 : index
        %get3A_100 = tpu.vector_load %arg9[%get3A_98, %get3A_99] {strides = array<i32>} : memref<157x128xf32, #tpu.memory_space<vmem>>, vector<16xf32>,
        %mul3A_101 = arith.mulf %gather3A_97, %get3A_100 : vector<16xf32>
        %swap3A_102 = arith.index_cast %scan3A_64 : i32 to index
        %swap3A_103 = arith.constant 48 : index
        %swap3A_104 = tpu.vector_load %arg10[%swap3A_102, %swap3A_103] {strides = array<i32>} : memref<157x128xf32, #tpu.memory_space<vmem>>, vector<16xf32>,
        tpu.vector_store %arg10[%swap3A_102, %swap3A_103], %mul3A_101 {strides = array<i32>} : memref<157x128xf32, #tpu.memory_space<vmem>>, vector<16xf32>,
        %get3A_105 = arith.index_cast %scan3A_64 : i32 to index
        %get3A_106 = arith.constant 64 : index
        %get3A_107 = tpu.vector_load %arg7[%get3A_105, %get3A_106] {strides = array<i32>} : memref<157x128xi32, #tpu.memory_space<vmem>>, vector<16xi32>,
        %gather3A_108 = tpu.vector_load_idx %arg11[%get3A_107] : memref<10240xf32, #tpu.memory_space<vmem>>[vector<16xi32>], vector<16xf32>,
        %get3A_109 = arith.index_cast %scan3A_64 : i32 to index
        %get3A_110 = arith.constant 64 : index
        %get3A_111 = tpu.vector_load %arg9[%get3A_109, %get3A_110] {strides = array<i32>} : memref<157x128xf32, #tpu.memory_space<vmem>>, vector<16xf32>,
        %mul3A_112 = arith.mulf %gather3A_108, %get3A_111 : vector<16xf32>
        %swap3A_113 = arith.index_cast %scan3A_64 : i32 to index
        %swap3A_114 = arith.constant 64 : index
        %swap3A_115 = tpu.vector_load %arg10[%swap3A_113, %swap3A_114] {strides = array<i32>} : memref<157x128xf32, #tpu.memory_space<vmem>>, vector<16xf32>,
        tpu.vector_store %arg10[%swap3A_113, %swap3A_114], %mul3A_112 {strides = array<i32>} : memref<157x128xf32, #tpu.memory_space<vmem>>, vector<16xf32>,
        %get3A_116 = arith.index_cast %scan3A_64 : i32 to index
        %get3A_117 = arith.constant 80 : index
        %get3A_118 = tpu.vector_load %arg7[%get3A_116, %get3A_117] {strides = array<i32>} : memref<157x128xi32, #tpu.memory_space<vmem>>, vector<16xi32>,
        %gather3A_119 = tpu.vector_load_idx %arg11[%get3A_118] : memref<10240xf32, #tpu.memory_space<vmem>>[vector<16xi32>], vector<16xf32>,
        %get3A_120 = arith.index_cast %scan3A_64 : i32 to index
        %get3A_121 = arith.constant 80 : index
        %get3A_122 = tpu.vector_load %arg9[%get3A_120, %get3A_121] {strides = array<i32>} : memref<157x128xf32, #tpu.memory_space<vmem>>, vector<16xf32>,
        %mul3A_123 = arith.mulf %gather3A_119, %get3A_122 : vector<16xf32>
        %swap3A_124 = arith.index_cast %scan3A_64 : i32 to index
        %swap3A_125 = arith.constant 80 : index
        %swap3A_126 = tpu.vector_load %arg10[%swap3A_124, %swap3A_125] {strides = array<i32>} : memref<157x128xf32, #tpu.memory_space<vmem>>, vector<16xf32>,
        tpu.vector_store %arg10[%swap3A_124, %swap3A_125], %mul3A_123 {strides = array<i32>} : memref<157x128xf32, #tpu.memory_space<vmem>>, vector<16xf32>,
        %get3A_127 = arith.index_cast %scan3A_64 : i32 to index
        %get3A_128 = arith.constant 96 : index
        %get3A_129 = tpu.vector_load %arg7[%get3A_127, %get3A_128] {strides = array<i32>} : memref<157x128xi32, #tpu.memory_space<vmem>>, vector<16xi32>,
        %gather3A_130 = tpu.vector_load_idx %arg11[%get3A_129] : memref<10240xf32, #tpu.memory_space<vmem>>[vector<16xi32>], vector<16xf32>,
        %get3A_131 = arith.index_cast %scan3A_64 : i32 to index
        %get3A_132 = arith.constant 96 : index
        %get3A_133 = tpu.vector_load %arg9[%get3A_131, %get3A_132] {strides = array<i32>} : memref<157x128xf32, #tpu.memory_space<vmem>>, vector<16xf32>,
        %mul3A_134 = arith.mulf %gather3A_130, %get3A_133 : vector<16xf32>
        %swap3A_135 = arith.index_cast %scan3A_64 : i32 to index
        %swap3A_136 = arith.constant 96 : index
        %swap3A_137 = tpu.vector_load %arg10[%swap3A_135, %swap3A_136] {strides = array<i32>} : memref<157x128xf32, #tpu.memory_space<vmem>>, vector<16xf32>,
        tpu.vector_store %arg10[%swap3A_135, %swap3A_136], %mul3A_134 {strides = array<i32>} : memref<157x128xf32, #tpu.memory_space<vmem>>, vector<16xf32>,
        %get3A_138 = arith.index_cast %scan3A_64 : i32 to index
        %get3A_139 = arith.constant 112 : index
        %get3A_140 = tpu.vector_load %arg7[%get3A_138, %get3A_139] {strides = array<i32>} : memref<157x128xi32, #tpu.memory_space<vmem>>, vector<16xi32>,
        %gather3A_141 = tpu.vector_load_idx %arg11[%get3A_140] : memref<10240xf32, #tpu.memory_space<vmem>>[vector<16xi32>], vector<16xf32>,
        %get3A_142 = arith.index_cast %scan3A_64 : i32 to index
        %get3A_143 = arith.constant 112 : index
        %get3A_144 = tpu.vector_load %arg9[%get3A_142, %get3A_143] {strides = array<i32>} : memref<157x128xf32, #tpu.memory_space<vmem>>, vector<16xf32>,
        %mul3A_145 = arith.mulf %gather3A_141, %get3A_144 : vector<16xf32>
        %swap3A_146 = arith.index_cast %scan3A_64 : i32 to index
        %swap3A_147 = arith.constant 112 : index
        %swap3A_148 = tpu.vector_load %arg10[%swap3A_146, %swap3A_147] {strides = array<i32>} : memref<157x128xf32, #tpu.memory_space<vmem>>, vector<16xf32>,
        tpu.vector_store %arg10[%swap3A_146, %swap3A_147], %mul3A_145 {strides = array<i32>} : memref<157x128xf32, #tpu.memory_space<vmem>>, vector<16xf32>,
        "tpu.region"() ({
          %run_scoped3A_149 = tpu.sem_alloc : memref<!tpu.dma_semaphore, #tpu.memory_space<semaphore_mem>>
          %dma_start3A = arith.constant 0 : i32
          %dma_start3A_150 = tpu.memref_slice %arg10[%scan3A_64, %dma_start3A] : memref<157x128xf32, #tpu.memory_space<vmem>> -> memref<1x128xf32, #tpu.memory_space<vmem>>
          %dma_start3A_151 = tpu.memref_squeeze %dma_start3A_150 : memref<1x128xf32, #tpu.memory_space<vmem>> -> memref<128xf32, #tpu.memory_space<vmem>>
          %dma_start3A_152 = arith.constant 0 : i32
          %dma_start3A_153 = tpu.memref_slice %arg8[%scan3A_64, %dma_start3A_152] : memref<157x128xi32, #tpu.memory_space<vmem>> -> memref<1x128xi32, #tpu.memory_space<vmem>>
          %dma_start3A_154 = tpu.memref_squeeze %dma_start3A_153 : memref<1x128xi32, #tpu.memory_space<vmem>> -> memref<128xi32, #tpu.memory_space<vmem>>
          %dma_start3A_155 = arith.constant 0 : i32
          %dma_start3A_156 = tpu.memref_slice %arg12[%dma_start3A_155] : memref<10240xf32, #tpu.memory_space<vmem_shared>> -> memref<10240xf32, #tpu.memory_space<vmem_shared>>
          tpu.enqueue_indirect_dma source(%dma_start3A_151 : memref<128xf32, #tpu.memory_space<vmem>>) target(%dma_start3A_156 : memref<10240xf32, #tpu.memory_space<vmem_shared>>) offsets(%dma_start3A_154 : memref<128xi32, #tpu.memory_space<vmem>>) semaphore(%run_scoped3A_149 : memref<!tpu.dma_semaphore, #tpu.memory_space<semaphore_mem>>) {add = true}
          %dma_wait3A = arith.constant 0 : i32
          %dma_wait3A_157 = tpu.memref_slice %arg10[%scan3A_64, %dma_wait3A] : memref<157x128xf32, #tpu.memory_space<vmem>> -> memref<1x128xf32, #tpu.memory_space<vmem>>
          %dma_wait3A_158 = tpu.memref_squeeze %dma_wait3A_157 : memref<1x128xf32, #tpu.memory_space<vmem>> -> memref<128xf32, #tpu.memory_space<vmem>>
          %dma_wait3A_159 = arith.constant 0 : i32
          %dma_wait3A_160 = tpu.memref_slice %arg8[%scan3A_64, %dma_wait3A_159] : memref<157x128xi32, #tpu.memory_space<vmem>> -> memref<1x128xi32, #tpu.memory_space<vmem>>
          %dma_wait3A_161 = tpu.memref_squeeze %dma_wait3A_160 : memref<1x128xi32, #tpu.memory_space<vmem>> -> memref<128xi32, #tpu.memory_space<vmem>>
          %dma_wait3A_162 = arith.constant 0 : i32
          %dma_wait3A_163 = tpu.memref_slice %arg12[%dma_wait3A_162] : memref<10240xf32, #tpu.memory_space<vmem_shared>> -> memref<10240xf32, #tpu.memory_space<vmem_shared>>
          tpu.wait_indirect_dma semaphore(%run_scoped3A_149 : memref<!tpu.dma_semaphore, #tpu.memory_space<semaphore_mem>>) src(%dma_wait3A_158 : memref<128xf32, #tpu.memory_space<vmem>>) dst(%dma_wait3A_163 : memref<10240xf32, #tpu.memory_space<vmem_shared>>)
          tpu.yield
        }) : () -> ()
      }
      %scan3A_36 = arith.constant 157 : i32
      %barrier3A_37 = arith.constant 0 : index
      tpu.barrier barrier_id(%barrier3A_37)
      %eq3A_38 = arith.constant 0 : i32
      %eq3A_39 = arith.cmpi eq, %arg1, %eq3A_38 : i32
      %convert_element_type3A_40 = arith.extui %eq3A_39 : i1 to i32
      %cond3A_41 = arith.constant 0 : i32
      %cond3A_42 = arith.cmpi ne, %convert_element_type3A_40, %cond3A_41 : i32
      scf.if %cond3A_42 {
        %run_scoped3A_64 = arith.constant 2 : i32
        "tpu.region"() ({
          %run_scoped3A_65 = tpu.sem_alloc : memref<!tpu.dma_semaphore, #tpu.memory_space<semaphore_mem>>
          %dma_start3A = arith.constant 0 : i32
          %dma_start3A_66 = tpu.memref_slice %arg6[%run_scoped3A_64, %dma_start3A] : memref<4x10240xf32, #tpu.memory_space<hbm>> -> memref<1x10240xf32, #tpu.memory_space<hbm>>
          %dma_start3A_67 = tpu.memref_squeeze %dma_start3A_66 : memref<1x10240xf32, #tpu.memory_space<hbm>> -> memref<10240xf32, #tpu.memory_space<hbm>>
          tpu.enqueue_dma source(%arg12 : memref<10240xf32, #tpu.memory_space<vmem_shared>>) target(%dma_start3A_67 : memref<10240xf32, #tpu.memory_space<hbm>>) target_semaphore(%run_scoped3A_65 : memref<!tpu.dma_semaphore, #tpu.memory_space<semaphore_mem>>)
          %dma_wait3A = arith.constant 0 : i32
          %dma_wait3A_68 = tpu.memref_slice %arg6[%run_scoped3A_64, %dma_wait3A] : memref<4x10240xf32, #tpu.memory_space<hbm>> -> memref<1x10240xf32, #tpu.memory_space<hbm>>
          %dma_wait3A_69 = tpu.memref_squeeze %dma_wait3A_68 : memref<1x10240xf32, #tpu.memory_space<hbm>> -> memref<10240xf32, #tpu.memory_space<hbm>>
          tpu.wait_dma2 semaphore(%run_scoped3A_65 : memref<!tpu.dma_semaphore, #tpu.memory_space<semaphore_mem>>) src(%arg12 : memref<10240xf32, #tpu.memory_space<vmem_shared>>) dst(%dma_wait3A_69 : memref<10240xf32, #tpu.memory_space<hbm>>)
          tpu.yield
        }) : () -> ()
      } else {
      }
      %barrier3A_43 = arith.constant 0 : index
      tpu.barrier barrier_id(%barrier3A_43)
      %run_scoped3A_44 = arith.constant 2 : i32
      "tpu.region"() ({
        %run_scoped3A_64 = tpu.sem_alloc : memref<!tpu.dma_semaphore, #tpu.memory_space<semaphore_mem>>
        %dma_start3A = arith.constant 0 : i32
        %dma_start3A_65 = tpu.memref_slice %arg6[%run_scoped3A_44, %dma_start3A] : memref<4x10240xf32, #tpu.memory_space<hbm>> -> memref<1x10240xf32, #tpu.memory_space<hbm>>
        %dma_start3A_66 = tpu.memref_squeeze %dma_start3A_65 : memref<1x10240xf32, #tpu.memory_space<hbm>> -> memref<10240xf32, #tpu.memory_space<hbm>>
        %dma_start3A_67 = arith.constant 0 : i32
        %dma_start3A_68 = tpu.memref_slice %arg6[%run_scoped3A_44, %dma_start3A_67] : memref<4x10240xf32, #tpu.memory_space<hbm>> -> memref<1x10240xf32, #tpu.memory_space<hbm>>
        %dma_start3A_69 = tpu.memref_squeeze %dma_start3A_68 : memref<1x10240xf32, #tpu.memory_space<hbm>> -> memref<10240xf32, #tpu.memory_space<hbm>>
        tpu.enqueue_dma source(%dma_start3A_69 : memref<10240xf32, #tpu.memory_space<hbm>>) target(%arg11 : memref<10240xf32, #tpu.memory_space<vmem>>) target_semaphore(%run_scoped3A_64 : memref<!tpu.dma_semaphore, #tpu.memory_space<semaphore_mem>>)
        %dma_wait3A = arith.constant 0 : i32
        %dma_wait3A_70 = tpu.memref_slice %arg6[%run_scoped3A_44, %dma_wait3A] : memref<4x10240xf32, #tpu.memory_space<hbm>> -> memref<1x10240xf32, #tpu.memory_space<hbm>>
        %dma_wait3A_71 = tpu.memref_squeeze %dma_wait3A_70 : memref<1x10240xf32, #tpu.memory_space<hbm>> -> memref<10240xf32, #tpu.memory_space<hbm>>
        %dma_wait3A_72 = arith.constant 0 : i32
        %dma_wait3A_73 = tpu.memref_slice %arg6[%run_scoped3A_44, %dma_wait3A_72] : memref<4x10240xf32, #tpu.memory_space<hbm>> -> memref<1x10240xf32, #tpu.memory_space<hbm>>
        %dma_wait3A_74 = tpu.memref_squeeze %dma_wait3A_73 : memref<1x10240xf32, #tpu.memory_space<hbm>> -> memref<10240xf32, #tpu.memory_space<hbm>>
        tpu.wait_dma2 semaphore(%run_scoped3A_64 : memref<!tpu.dma_semaphore, #tpu.memory_space<semaphore_mem>>) src(%dma_wait3A_74 : memref<10240xf32, #tpu.memory_space<hbm>>) dst(%arg11 : memref<10240xf32, #tpu.memory_space<vmem>>)
        tpu.yield
      }) : () -> ()
      %eq3A_45 = arith.constant 0 : i32
      %eq3A_46 = arith.cmpi eq, %arg1, %eq3A_45 : i32
      %convert_element_type3A_47 = arith.extui %eq3A_46 : i1 to i32
      %cond3A_48 = arith.constant 0 : i32
      %cond3A_49 = arith.cmpi ne, %convert_element_type3A_47, %cond3A_48 : i32
      scf.if %cond3A_49 {
        "tpu.region"() ({
          %run_scoped3A_64 = tpu.sem_alloc : memref<!tpu.dma_semaphore, #tpu.memory_space<semaphore_mem>>
          tpu.enqueue_dma source(%arg5 : memref<10240xf32, #tpu.memory_space<hbm>>) target(%arg12 : memref<10240xf32, #tpu.memory_space<vmem_shared>>) target_semaphore(%run_scoped3A_64 : memref<!tpu.dma_semaphore, #tpu.memory_space<semaphore_mem>>)
          tpu.wait_dma2 semaphore(%run_scoped3A_64 : memref<!tpu.dma_semaphore, #tpu.memory_space<semaphore_mem>>) src(%arg5 : memref<10240xf32, #tpu.memory_space<hbm>>) dst(%arg12 : memref<10240xf32, #tpu.memory_space<vmem_shared>>)
          tpu.yield
        }) : () -> ()
      } else {
      }
      %barrier3A_50 = arith.constant 0 : index
      tpu.barrier barrier_id(%barrier3A_50)
      %scan3A_51 = arith.constant 0 : i32
      %scan3A_52 = arith.constant 0 : i32
      %scan3A_53 = arith.constant 157 : i32
      %scan3A_54 = arith.addi %scan3A_52, %scan3A_53 : i32
      %scan3A_55 = arith.constant 1 : i32
      scf.for %scan3A_64 = %scan3A_52 to %scan3A_54 step %scan3A_55  : i32 {
        %get3A = arith.index_cast %scan3A_64 : i32 to index
        %get3A_65 = arith.constant 0 : index
        %get3A_66 = tpu.vector_load %arg7[%get3A, %get3A_65] {strides = array<i32>} : memref<157x128xi32, #tpu.memory_space<vmem>>, vector<16xi32>,
        %gather3A = tpu.vector_load_idx %arg11[%get3A_66] : memref<10240xf32, #tpu.memory_space<vmem>>[vector<16xi32>], vector<16xf32>,
        %get3A_67 = arith.index_cast %scan3A_64 : i32 to index
        %get3A_68 = arith.constant 0 : index
        %get3A_69 = tpu.vector_load %arg9[%get3A_67, %get3A_68] {strides = array<i32>} : memref<157x128xf32, #tpu.memory_space<vmem>>, vector<16xf32>,
        %mul3A = arith.mulf %gather3A, %get3A_69 : vector<16xf32>
        %swap3A = arith.index_cast %scan3A_64 : i32 to index
        %swap3A_70 = arith.constant 0 : index
        %swap3A_71 = tpu.vector_load %arg10[%swap3A, %swap3A_70] {strides = array<i32>} : memref<157x128xf32, #tpu.memory_space<vmem>>, vector<16xf32>,
        tpu.vector_store %arg10[%swap3A, %swap3A_70], %mul3A {strides = array<i32>} : memref<157x128xf32, #tpu.memory_space<vmem>>, vector<16xf32>,
        %get3A_72 = arith.index_cast %scan3A_64 : i32 to index
        %get3A_73 = arith.constant 16 : index
        %get3A_74 = tpu.vector_load %arg7[%get3A_72, %get3A_73] {strides = array<i32>} : memref<157x128xi32, #tpu.memory_space<vmem>>, vector<16xi32>,
        %gather3A_75 = tpu.vector_load_idx %arg11[%get3A_74] : memref<10240xf32, #tpu.memory_space<vmem>>[vector<16xi32>], vector<16xf32>,
        %get3A_76 = arith.index_cast %scan3A_64 : i32 to index
        %get3A_77 = arith.constant 16 : index
        %get3A_78 = tpu.vector_load %arg9[%get3A_76, %get3A_77] {strides = array<i32>} : memref<157x128xf32, #tpu.memory_space<vmem>>, vector<16xf32>,
        %mul3A_79 = arith.mulf %gather3A_75, %get3A_78 : vector<16xf32>
        %swap3A_80 = arith.index_cast %scan3A_64 : i32 to index
        %swap3A_81 = arith.constant 16 : index
        %swap3A_82 = tpu.vector_load %arg10[%swap3A_80, %swap3A_81] {strides = array<i32>} : memref<157x128xf32, #tpu.memory_space<vmem>>, vector<16xf32>,
        tpu.vector_store %arg10[%swap3A_80, %swap3A_81], %mul3A_79 {strides = array<i32>} : memref<157x128xf32, #tpu.memory_space<vmem>>, vector<16xf32>,
        %get3A_83 = arith.index_cast %scan3A_64 : i32 to index
        %get3A_84 = arith.constant 32 : index
        %get3A_85 = tpu.vector_load %arg7[%get3A_83, %get3A_84] {strides = array<i32>} : memref<157x128xi32, #tpu.memory_space<vmem>>, vector<16xi32>,
        %gather3A_86 = tpu.vector_load_idx %arg11[%get3A_85] : memref<10240xf32, #tpu.memory_space<vmem>>[vector<16xi32>], vector<16xf32>,
        %get3A_87 = arith.index_cast %scan3A_64 : i32 to index
        %get3A_88 = arith.constant 32 : index
        %get3A_89 = tpu.vector_load %arg9[%get3A_87, %get3A_88] {strides = array<i32>} : memref<157x128xf32, #tpu.memory_space<vmem>>, vector<16xf32>,
        %mul3A_90 = arith.mulf %gather3A_86, %get3A_89 : vector<16xf32>
        %swap3A_91 = arith.index_cast %scan3A_64 : i32 to index
        %swap3A_92 = arith.constant 32 : index
        %swap3A_93 = tpu.vector_load %arg10[%swap3A_91, %swap3A_92] {strides = array<i32>} : memref<157x128xf32, #tpu.memory_space<vmem>>, vector<16xf32>,
        tpu.vector_store %arg10[%swap3A_91, %swap3A_92], %mul3A_90 {strides = array<i32>} : memref<157x128xf32, #tpu.memory_space<vmem>>, vector<16xf32>,
        %get3A_94 = arith.index_cast %scan3A_64 : i32 to index
        %get3A_95 = arith.constant 48 : index
        %get3A_96 = tpu.vector_load %arg7[%get3A_94, %get3A_95] {strides = array<i32>} : memref<157x128xi32, #tpu.memory_space<vmem>>, vector<16xi32>,
        %gather3A_97 = tpu.vector_load_idx %arg11[%get3A_96] : memref<10240xf32, #tpu.memory_space<vmem>>[vector<16xi32>], vector<16xf32>,
        %get3A_98 = arith.index_cast %scan3A_64 : i32 to index
        %get3A_99 = arith.constant 48 : index
        %get3A_100 = tpu.vector_load %arg9[%get3A_98, %get3A_99] {strides = array<i32>} : memref<157x128xf32, #tpu.memory_space<vmem>>, vector<16xf32>,
        %mul3A_101 = arith.mulf %gather3A_97, %get3A_100 : vector<16xf32>
        %swap3A_102 = arith.index_cast %scan3A_64 : i32 to index
        %swap3A_103 = arith.constant 48 : index
        %swap3A_104 = tpu.vector_load %arg10[%swap3A_102, %swap3A_103] {strides = array<i32>} : memref<157x128xf32, #tpu.memory_space<vmem>>, vector<16xf32>,
        tpu.vector_store %arg10[%swap3A_102, %swap3A_103], %mul3A_101 {strides = array<i32>} : memref<157x128xf32, #tpu.memory_space<vmem>>, vector<16xf32>,
        %get3A_105 = arith.index_cast %scan3A_64 : i32 to index
        %get3A_106 = arith.constant 64 : index
        %get3A_107 = tpu.vector_load %arg7[%get3A_105, %get3A_106] {strides = array<i32>} : memref<157x128xi32, #tpu.memory_space<vmem>>, vector<16xi32>,
        %gather3A_108 = tpu.vector_load_idx %arg11[%get3A_107] : memref<10240xf32, #tpu.memory_space<vmem>>[vector<16xi32>], vector<16xf32>,
        %get3A_109 = arith.index_cast %scan3A_64 : i32 to index
        %get3A_110 = arith.constant 64 : index
        %get3A_111 = tpu.vector_load %arg9[%get3A_109, %get3A_110] {strides = array<i32>} : memref<157x128xf32, #tpu.memory_space<vmem>>, vector<16xf32>,
        %mul3A_112 = arith.mulf %gather3A_108, %get3A_111 : vector<16xf32>
        %swap3A_113 = arith.index_cast %scan3A_64 : i32 to index
        %swap3A_114 = arith.constant 64 : index
        %swap3A_115 = tpu.vector_load %arg10[%swap3A_113, %swap3A_114] {strides = array<i32>} : memref<157x128xf32, #tpu.memory_space<vmem>>, vector<16xf32>,
        tpu.vector_store %arg10[%swap3A_113, %swap3A_114], %mul3A_112 {strides = array<i32>} : memref<157x128xf32, #tpu.memory_space<vmem>>, vector<16xf32>,
        %get3A_116 = arith.index_cast %scan3A_64 : i32 to index
        %get3A_117 = arith.constant 80 : index
        %get3A_118 = tpu.vector_load %arg7[%get3A_116, %get3A_117] {strides = array<i32>} : memref<157x128xi32, #tpu.memory_space<vmem>>, vector<16xi32>,
        %gather3A_119 = tpu.vector_load_idx %arg11[%get3A_118] : memref<10240xf32, #tpu.memory_space<vmem>>[vector<16xi32>], vector<16xf32>,
        %get3A_120 = arith.index_cast %scan3A_64 : i32 to index
        %get3A_121 = arith.constant 80 : index
        %get3A_122 = tpu.vector_load %arg9[%get3A_120, %get3A_121] {strides = array<i32>} : memref<157x128xf32, #tpu.memory_space<vmem>>, vector<16xf32>,
        %mul3A_123 = arith.mulf %gather3A_119, %get3A_122 : vector<16xf32>
        %swap3A_124 = arith.index_cast %scan3A_64 : i32 to index
        %swap3A_125 = arith.constant 80 : index
        %swap3A_126 = tpu.vector_load %arg10[%swap3A_124, %swap3A_125] {strides = array<i32>} : memref<157x128xf32, #tpu.memory_space<vmem>>, vector<16xf32>,
        tpu.vector_store %arg10[%swap3A_124, %swap3A_125], %mul3A_123 {strides = array<i32>} : memref<157x128xf32, #tpu.memory_space<vmem>>, vector<16xf32>,
        %get3A_127 = arith.index_cast %scan3A_64 : i32 to index
        %get3A_128 = arith.constant 96 : index
        %get3A_129 = tpu.vector_load %arg7[%get3A_127, %get3A_128] {strides = array<i32>} : memref<157x128xi32, #tpu.memory_space<vmem>>, vector<16xi32>,
        %gather3A_130 = tpu.vector_load_idx %arg11[%get3A_129] : memref<10240xf32, #tpu.memory_space<vmem>>[vector<16xi32>], vector<16xf32>,
        %get3A_131 = arith.index_cast %scan3A_64 : i32 to index
        %get3A_132 = arith.constant 96 : index
        %get3A_133 = tpu.vector_load %arg9[%get3A_131, %get3A_132] {strides = array<i32>} : memref<157x128xf32, #tpu.memory_space<vmem>>, vector<16xf32>,
        %mul3A_134 = arith.mulf %gather3A_130, %get3A_133 : vector<16xf32>
        %swap3A_135 = arith.index_cast %scan3A_64 : i32 to index
        %swap3A_136 = arith.constant 96 : index
        %swap3A_137 = tpu.vector_load %arg10[%swap3A_135, %swap3A_136] {strides = array<i32>} : memref<157x128xf32, #tpu.memory_space<vmem>>, vector<16xf32>,
        tpu.vector_store %arg10[%swap3A_135, %swap3A_136], %mul3A_134 {strides = array<i32>} : memref<157x128xf32, #tpu.memory_space<vmem>>, vector<16xf32>,
        %get3A_138 = arith.index_cast %scan3A_64 : i32 to index
        %get3A_139 = arith.constant 112 : index
        %get3A_140 = tpu.vector_load %arg7[%get3A_138, %get3A_139] {strides = array<i32>} : memref<157x128xi32, #tpu.memory_space<vmem>>, vector<16xi32>,
        %gather3A_141 = tpu.vector_load_idx %arg11[%get3A_140] : memref<10240xf32, #tpu.memory_space<vmem>>[vector<16xi32>], vector<16xf32>,
        %get3A_142 = arith.index_cast %scan3A_64 : i32 to index
        %get3A_143 = arith.constant 112 : index
        %get3A_144 = tpu.vector_load %arg9[%get3A_142, %get3A_143] {strides = array<i32>} : memref<157x128xf32, #tpu.memory_space<vmem>>, vector<16xf32>,
        %mul3A_145 = arith.mulf %gather3A_141, %get3A_144 : vector<16xf32>
        %swap3A_146 = arith.index_cast %scan3A_64 : i32 to index
        %swap3A_147 = arith.constant 112 : index
        %swap3A_148 = tpu.vector_load %arg10[%swap3A_146, %swap3A_147] {strides = array<i32>} : memref<157x128xf32, #tpu.memory_space<vmem>>, vector<16xf32>,
        tpu.vector_store %arg10[%swap3A_146, %swap3A_147], %mul3A_145 {strides = array<i32>} : memref<157x128xf32, #tpu.memory_space<vmem>>, vector<16xf32>,
        "tpu.region"() ({
          %run_scoped3A_149 = tpu.sem_alloc : memref<!tpu.dma_semaphore, #tpu.memory_space<semaphore_mem>>
          %dma_start3A = arith.constant 0 : i32
          %dma_start3A_150 = tpu.memref_slice %arg10[%scan3A_64, %dma_start3A] : memref<157x128xf32, #tpu.memory_space<vmem>> -> memref<1x128xf32, #tpu.memory_space<vmem>>
          %dma_start3A_151 = tpu.memref_squeeze %dma_start3A_150 : memref<1x128xf32, #tpu.memory_space<vmem>> -> memref<128xf32, #tpu.memory_space<vmem>>
          %dma_start3A_152 = arith.constant 0 : i32
          %dma_start3A_153 = tpu.memref_slice %arg8[%scan3A_64, %dma_start3A_152] : memref<157x128xi32, #tpu.memory_space<vmem>> -> memref<1x128xi32, #tpu.memory_space<vmem>>
          %dma_start3A_154 = tpu.memref_squeeze %dma_start3A_153 : memref<1x128xi32, #tpu.memory_space<vmem>> -> memref<128xi32, #tpu.memory_space<vmem>>
          %dma_start3A_155 = arith.constant 0 : i32
          %dma_start3A_156 = tpu.memref_slice %arg12[%dma_start3A_155] : memref<10240xf32, #tpu.memory_space<vmem_shared>> -> memref<10240xf32, #tpu.memory_space<vmem_shared>>
          tpu.enqueue_indirect_dma source(%dma_start3A_151 : memref<128xf32, #tpu.memory_space<vmem>>) target(%dma_start3A_156 : memref<10240xf32, #tpu.memory_space<vmem_shared>>) offsets(%dma_start3A_154 : memref<128xi32, #tpu.memory_space<vmem>>) semaphore(%run_scoped3A_149 : memref<!tpu.dma_semaphore, #tpu.memory_space<semaphore_mem>>) {add = true}
          %dma_wait3A = arith.constant 0 : i32
          %dma_wait3A_157 = tpu.memref_slice %arg10[%scan3A_64, %dma_wait3A] : memref<157x128xf32, #tpu.memory_space<vmem>> -> memref<1x128xf32, #tpu.memory_space<vmem>>
          %dma_wait3A_158 = tpu.memref_squeeze %dma_wait3A_157 : memref<1x128xf32, #tpu.memory_space<vmem>> -> memref<128xf32, #tpu.memory_space<vmem>>
          %dma_wait3A_159 = arith.constant 0 : i32
          %dma_wait3A_160 = tpu.memref_slice %arg8[%scan3A_64, %dma_wait3A_159] : memref<157x128xi32, #tpu.memory_space<vmem>> -> memref<1x128xi32, #tpu.memory_space<vmem>>
          %dma_wait3A_161 = tpu.memref_squeeze %dma_wait3A_160 : memref<1x128xi32, #tpu.memory_space<vmem>> -> memref<128xi32, #tpu.memory_space<vmem>>
          %dma_wait3A_162 = arith.constant 0 : i32
          %dma_wait3A_163 = tpu.memref_slice %arg12[%dma_wait3A_162] : memref<10240xf32, #tpu.memory_space<vmem_shared>> -> memref<10240xf32, #tpu.memory_space<vmem_shared>>
          tpu.wait_indirect_dma semaphore(%run_scoped3A_149 : memref<!tpu.dma_semaphore, #tpu.memory_space<semaphore_mem>>) src(%dma_wait3A_158 : memref<128xf32, #tpu.memory_space<vmem>>) dst(%dma_wait3A_163 : memref<10240xf32, #tpu.memory_space<vmem_shared>>)
          tpu.yield
        }) : () -> ()
      }
      %scan3A_56 = arith.constant 157 : i32
      %barrier3A_57 = arith.constant 0 : index
      tpu.barrier barrier_id(%barrier3A_57)
      %eq3A_58 = arith.constant 0 : i32
      %eq3A_59 = arith.cmpi eq, %arg1, %eq3A_58 : i32
      %convert_element_type3A_60 = arith.extui %eq3A_59 : i1 to i32
      %cond3A_61 = arith.constant 0 : i32
      %cond3A_62 = arith.cmpi ne, %convert_element_type3A_60, %cond3A_61 : i32
      scf.if %cond3A_62 {
        %run_scoped3A_64 = arith.constant 3 : i32
        "tpu.region"() ({
          %run_scoped3A_65 = tpu.sem_alloc : memref<!tpu.dma_semaphore, #tpu.memory_space<semaphore_mem>>
          %dma_start3A = arith.constant 0 : i32
          %dma_start3A_66 = tpu.memref_slice %arg6[%run_scoped3A_64, %dma_start3A] : memref<4x10240xf32, #tpu.memory_space<hbm>> -> memref<1x10240xf32, #tpu.memory_space<hbm>>
          %dma_start3A_67 = tpu.memref_squeeze %dma_start3A_66 : memref<1x10240xf32, #tpu.memory_space<hbm>> -> memref<10240xf32, #tpu.memory_space<hbm>>
          tpu.enqueue_dma source(%arg12 : memref<10240xf32, #tpu.memory_space<vmem_shared>>) target(%dma_start3A_67 : memref<10240xf32, #tpu.memory_space<hbm>>) target_semaphore(%run_scoped3A_65 : memref<!tpu.dma_semaphore, #tpu.memory_space<semaphore_mem>>)
          %dma_wait3A = arith.constant 0 : i32
          %dma_wait3A_68 = tpu.memref_slice %arg6[%run_scoped3A_64, %dma_wait3A] : memref<4x10240xf32, #tpu.memory_space<hbm>> -> memref<1x10240xf32, #tpu.memory_space<hbm>>
          %dma_wait3A_69 = tpu.memref_squeeze %dma_wait3A_68 : memref<1x10240xf32, #tpu.memory_space<hbm>> -> memref<10240xf32, #tpu.memory_space<hbm>>
          tpu.wait_dma2 semaphore(%run_scoped3A_65 : memref<!tpu.dma_semaphore, #tpu.memory_space<semaphore_mem>>) src(%arg12 : memref<10240xf32, #tpu.memory_space<vmem_shared>>) dst(%dma_wait3A_69 : memref<10240xf32, #tpu.memory_space<hbm>>)
          tpu.yield
        }) : () -> ()
      } else {
      }
      %barrier3A_63 = arith.constant 0 : index
      tpu.barrier barrier_id(%barrier3A_63)
    } else {
    }
    return
  }
}

module attributes {stable_mosaic.version = 14 : i64} {
  func.func @_tail_body(%arg0: memref<4x10240xf32, #tpu.memory_space<vmem>>, %arg1: memref<4x10240xf32, #tpu.memory_space<vmem>>) attributes {dimension_semantics = [], scalar_prefetch = 0 : i64, scratch_operands = 0 : i64, tpu.core_type = #tpu.core_type<tc>} {
    %get3A = arith.constant 0 : index
    %get3A_0 = arith.constant 0 : index
    %get3A_1 = vector.load %arg0[%get3A, %get3A_0] : memref<4x10240xf32, #tpu.memory_space<vmem>>, vector<4x10240xf32>
    %iota3A = tpu.iota {dimensions = array<i32: 1>} : vector<1x10240xi32>
    %lt3A = arith.constant 10000 : i32
    %lt3A_2 = vector.broadcast %lt3A : i32 to vector<1x10240xi32>
    %lt3A_3 = arith.cmpi slt, %iota3A, %lt3A_2 : vector<1x10240xi32>
    %convert_element_type3A = arith.extui %lt3A_3 : vector<1x10240xi1> to vector<1x10240xi32>
    %convert_element_type3A_4 = arith.sitofp %convert_element_type3A : vector<1x10240xi32> to vector<1x10240xf32>
    %slice3A = vector.extract_strided_slice %get3A_1 {offsets = [0, 0], sizes = [1, 10240], strides = [1, 1]} : vector<4x10240xf32> to vector<1x10240xf32>
    %max3A = arith.constant 9.99999993E-9 : f32
    %max3A_5 = vector.broadcast %max3A : f32 to vector<1x10240xf32>
    %max3A_6 = arith.maximumf %slice3A, %max3A_5 : vector<1x10240xf32>
    %log3A = math.log %max3A_6 : vector<1x10240xf32>
    %slice3A_7 = vector.extract_strided_slice %get3A_1 {offsets = [1, 0], sizes = [1, 10240], strides = [1, 1]} : vector<4x10240xf32> to vector<1x10240xf32>
    %mul3A = arith.mulf %slice3A_7, %convert_element_type3A_4 : vector<1x10240xf32>
    %reduce_sum3A = vector.shape_cast %mul3A : vector<1x10240xf32> to vector<1x1x10240xf32>
    %reduce_sum3A_8 = arith.constant dense<0.000000e+00> : vector<1xf32>
    %reduce_sum3A_9 = vector.multi_reduction <add>, %reduce_sum3A, %reduce_sum3A_8 [1, 2] : vector<1x1x10240xf32> to vector<1xf32>
    %reduce_sum3A_10 = vector.shape_cast %reduce_sum3A_9 : vector<1xf32> to vector<1x1x1xf32>
    %reduce_sum3A_11 = vector.extract %reduce_sum3A_10[0, 0, 0] : f32 from vector<1x1x1xf32>
    %slice3A_12 = vector.extract_strided_slice %get3A_1 {offsets = [2, 0], sizes = [1, 10240], strides = [1, 1]} : vector<4x10240xf32> to vector<1x10240xf32>
    %mul3A_13 = arith.mulf %slice3A_12, %convert_element_type3A_4 : vector<1x10240xf32>
    %reduce_sum3A_14 = vector.shape_cast %mul3A_13 : vector<1x10240xf32> to vector<1x1x10240xf32>
    %reduce_sum3A_15 = arith.constant dense<0.000000e+00> : vector<1xf32>
    %reduce_sum3A_16 = vector.multi_reduction <add>, %reduce_sum3A_14, %reduce_sum3A_15 [1, 2] : vector<1x1x10240xf32> to vector<1xf32>
    %reduce_sum3A_17 = vector.shape_cast %reduce_sum3A_16 : vector<1xf32> to vector<1x1x1xf32>
    %reduce_sum3A_18 = vector.extract %reduce_sum3A_17[0, 0, 0] : f32 from vector<1x1x1xf32>
    %slice3A_19 = vector.extract_strided_slice %get3A_1 {offsets = [3, 0], sizes = [1, 10240], strides = [1, 1]} : vector<4x10240xf32> to vector<1x10240xf32>
    %mul3A_20 = arith.mulf %slice3A_19, %convert_element_type3A_4 : vector<1x10240xf32>
    %reduce_sum3A_21 = vector.shape_cast %mul3A_20 : vector<1x10240xf32> to vector<1x1x10240xf32>
    %reduce_sum3A_22 = arith.constant dense<0.000000e+00> : vector<1xf32>
    %reduce_sum3A_23 = vector.multi_reduction <add>, %reduce_sum3A_21, %reduce_sum3A_22 [1, 2] : vector<1x1x10240xf32> to vector<1xf32>
    %reduce_sum3A_24 = vector.shape_cast %reduce_sum3A_23 : vector<1xf32> to vector<1x1x1xf32>
    %reduce_sum3A_25 = vector.extract %reduce_sum3A_24[0, 0, 0] : f32 from vector<1x1x1xf32>
    %max3A_26 = arith.constant 9.99999993E-9 : f32
    %max3A_27 = arith.maximumf %reduce_sum3A_11, %max3A_26 : f32
    %mul3A_28 = arith.constant 9.99999993E-9 : f32
    %mul3A_29 = arith.mulf %mul3A_28, %max3A_27 : f32
    %max3A_30 = arith.maximumf %reduce_sum3A_18, %mul3A_29 : f32
    %mul3A_31 = arith.constant 9.99999993E-9 : f32
    %mul3A_32 = arith.mulf %mul3A_31, %max3A_30 : f32
    %max3A_33 = arith.maximumf %reduce_sum3A_25, %mul3A_32 : f32
    %slice3A_34 = vector.extract_strided_slice %get3A_1 {offsets = [3, 0], sizes = [1, 10240], strides = [1, 1]} : vector<4x10240xf32> to vector<1x10240xf32>
    %div3A = vector.broadcast %max3A_33 : f32 to vector<1x10240xf32>
    %div3A_35 = arith.divf %slice3A_34, %div3A : vector<1x10240xf32>
    %mul3A_36 = arith.mulf %max3A_6, %convert_element_type3A_4 : vector<1x10240xf32>
    %reduce_sum3A_37 = vector.shape_cast %mul3A_36 : vector<1x10240xf32> to vector<1x1x10240xf32>
    %reduce_sum3A_38 = arith.constant dense<0.000000e+00> : vector<1xf32>
    %reduce_sum3A_39 = vector.multi_reduction <add>, %reduce_sum3A_37, %reduce_sum3A_38 [1, 2] : vector<1x1x10240xf32> to vector<1xf32>
    %reduce_sum3A_40 = vector.shape_cast %reduce_sum3A_39 : vector<1xf32> to vector<1x1x1xf32>
    %reduce_sum3A_41 = vector.extract %reduce_sum3A_40[0, 0, 0] : f32 from vector<1x1x1xf32>
    %div3A_42 = arith.constant 1.000000e+04 : f32
    %div3A_43 = arith.divf %reduce_sum3A_41, %div3A_42 : f32
    %sub3A = vector.broadcast %div3A_43 : f32 to vector<1x10240xf32>
    %sub3A_44 = arith.subf %max3A_6, %sub3A : vector<1x10240xf32>
    %mul3A_45 = arith.mulf %sub3A_44, %convert_element_type3A_4 : vector<1x10240xf32>
    %mul3A_46 = arith.mulf %mul3A_45, %mul3A_45 : vector<1x10240xf32>
    %reduce_sum3A_47 = vector.shape_cast %mul3A_46 : vector<1x10240xf32> to vector<1x1x10240xf32>
    %reduce_sum3A_48 = arith.constant dense<0.000000e+00> : vector<1xf32>
    %reduce_sum3A_49 = vector.multi_reduction <add>, %reduce_sum3A_47, %reduce_sum3A_48 [1, 2] : vector<1x1x10240xf32> to vector<1xf32>
    %reduce_sum3A_50 = vector.shape_cast %reduce_sum3A_49 : vector<1xf32> to vector<1x1x1xf32>
    %reduce_sum3A_51 = vector.extract %reduce_sum3A_50[0, 0, 0] : f32 from vector<1x1x1xf32>
    %div3A_52 = arith.constant 9.999000e+03 : f32
    %div3A_53 = arith.divf %reduce_sum3A_51, %div3A_52 : f32
    %sqrt3A = math.sqrt %div3A_53 : f32
    %sub3A_54 = vector.broadcast %div3A_43 : f32 to vector<1x10240xf32>
    %sub3A_55 = arith.subf %max3A_6, %sub3A_54 : vector<1x10240xf32>
    %max3A_56 = arith.constant 9.99999993E-9 : f32
    %max3A_57 = arith.maximumf %sqrt3A, %max3A_56 : f32
    %div3A_58 = vector.broadcast %max3A_57 : f32 to vector<1x10240xf32>
    %div3A_59 = arith.divf %sub3A_55, %div3A_58 : vector<1x10240xf32>
    %mul3A_60 = arith.mulf %log3A, %convert_element_type3A_4 : vector<1x10240xf32>
    %reduce_sum3A_61 = vector.shape_cast %mul3A_60 : vector<1x10240xf32> to vector<1x1x10240xf32>
    %reduce_sum3A_62 = arith.constant dense<0.000000e+00> : vector<1xf32>
    %reduce_sum3A_63 = vector.multi_reduction <add>, %reduce_sum3A_61, %reduce_sum3A_62 [1, 2] : vector<1x1x10240xf32> to vector<1xf32>
    %reduce_sum3A_64 = vector.shape_cast %reduce_sum3A_63 : vector<1xf32> to vector<1x1x1xf32>
    %reduce_sum3A_65 = vector.extract %reduce_sum3A_64[0, 0, 0] : f32 from vector<1x1x1xf32>
    %div3A_66 = arith.constant 1.000000e+04 : f32
    %div3A_67 = arith.divf %reduce_sum3A_65, %div3A_66 : f32
    %sub3A_68 = vector.broadcast %div3A_67 : f32 to vector<1x10240xf32>
    %sub3A_69 = arith.subf %log3A, %sub3A_68 : vector<1x10240xf32>
    %mul3A_70 = arith.mulf %sub3A_69, %convert_element_type3A_4 : vector<1x10240xf32>
    %mul3A_71 = arith.mulf %mul3A_70, %mul3A_70 : vector<1x10240xf32>
    %reduce_sum3A_72 = vector.shape_cast %mul3A_71 : vector<1x10240xf32> to vector<1x1x10240xf32>
    %reduce_sum3A_73 = arith.constant dense<0.000000e+00> : vector<1xf32>
    %reduce_sum3A_74 = vector.multi_reduction <add>, %reduce_sum3A_72, %reduce_sum3A_73 [1, 2] : vector<1x1x10240xf32> to vector<1xf32>
    %reduce_sum3A_75 = vector.shape_cast %reduce_sum3A_74 : vector<1xf32> to vector<1x1x1xf32>
    %reduce_sum3A_76 = vector.extract %reduce_sum3A_75[0, 0, 0] : f32 from vector<1x1x1xf32>
    %div3A_77 = arith.constant 9.999000e+03 : f32
    %div3A_78 = arith.divf %reduce_sum3A_76, %div3A_77 : f32
    %sqrt3A_79 = math.sqrt %div3A_78 : f32
    %sub3A_80 = vector.broadcast %div3A_67 : f32 to vector<1x10240xf32>
    %sub3A_81 = arith.subf %log3A, %sub3A_80 : vector<1x10240xf32>
    %max3A_82 = arith.constant 9.99999993E-9 : f32
    %max3A_83 = arith.maximumf %sqrt3A_79, %max3A_82 : f32
    %div3A_84 = vector.broadcast %max3A_83 : f32 to vector<1x10240xf32>
    %div3A_85 = arith.divf %sub3A_81, %div3A_84 : vector<1x10240xf32>
    %mul3A_86 = arith.mulf %div3A_35, %convert_element_type3A_4 : vector<1x10240xf32>
    %reduce_sum3A_87 = vector.shape_cast %mul3A_86 : vector<1x10240xf32> to vector<1x1x10240xf32>
    %reduce_sum3A_88 = arith.constant dense<0.000000e+00> : vector<1xf32>
    %reduce_sum3A_89 = vector.multi_reduction <add>, %reduce_sum3A_87, %reduce_sum3A_88 [1, 2] : vector<1x1x10240xf32> to vector<1xf32>
    %reduce_sum3A_90 = vector.shape_cast %reduce_sum3A_89 : vector<1xf32> to vector<1x1x1xf32>
    %reduce_sum3A_91 = vector.extract %reduce_sum3A_90[0, 0, 0] : f32 from vector<1x1x1xf32>
    %div3A_92 = arith.constant 1.000000e+04 : f32
    %div3A_93 = arith.divf %reduce_sum3A_91, %div3A_92 : f32
    %sub3A_94 = vector.broadcast %div3A_93 : f32 to vector<1x10240xf32>
    %sub3A_95 = arith.subf %div3A_35, %sub3A_94 : vector<1x10240xf32>
    %mul3A_96 = arith.mulf %sub3A_95, %convert_element_type3A_4 : vector<1x10240xf32>
    %mul3A_97 = arith.mulf %mul3A_96, %mul3A_96 : vector<1x10240xf32>
    %reduce_sum3A_98 = vector.shape_cast %mul3A_97 : vector<1x10240xf32> to vector<1x1x10240xf32>
    %reduce_sum3A_99 = arith.constant dense<0.000000e+00> : vector<1xf32>
    %reduce_sum3A_100 = vector.multi_reduction <add>, %reduce_sum3A_98, %reduce_sum3A_99 [1, 2] : vector<1x1x10240xf32> to vector<1xf32>
    %reduce_sum3A_101 = vector.shape_cast %reduce_sum3A_100 : vector<1xf32> to vector<1x1x1xf32>
    %reduce_sum3A_102 = vector.extract %reduce_sum3A_101[0, 0, 0] : f32 from vector<1x1x1xf32>
    %div3A_103 = arith.constant 9.999000e+03 : f32
    %div3A_104 = arith.divf %reduce_sum3A_102, %div3A_103 : f32
    %sqrt3A_105 = math.sqrt %div3A_104 : f32
    %sub3A_106 = vector.broadcast %div3A_93 : f32 to vector<1x10240xf32>
    %sub3A_107 = arith.subf %div3A_35, %sub3A_106 : vector<1x10240xf32>
    %max3A_108 = arith.constant 9.99999993E-9 : f32
    %max3A_109 = arith.maximumf %sqrt3A_105, %max3A_108 : f32
    %div3A_110 = vector.broadcast %max3A_109 : f32 to vector<1x10240xf32>
    %div3A_111 = arith.divf %sub3A_107, %div3A_110 : vector<1x10240xf32>
    %broadcast_in_dim3A = arith.constant 0.000000e+00 : f32
    %broadcast_in_dim3A_112 = vector.broadcast %broadcast_in_dim3A : f32 to vector<1x10240xf32>
    %concatenate3A = tpu.concatenate %div3A_59, %div3A_85, %div3A_111, %broadcast_in_dim3A_112 in 0 : vector<1x10240xf32>, vector<1x10240xf32>, vector<1x10240xf32>, vector<1x10240xf32> -> vector<4x10240xf32>
    %swap3A = arith.constant 0 : index
    %swap3A_113 = arith.constant 0 : index
    %swap3A_114 = vector.load %arg1[%swap3A, %swap3A_113] : memref<4x10240xf32, #tpu.memory_space<vmem>>, vector<4x10240xf32>
    tpu.vector_store %arg1[%swap3A, %swap3A_113], %concatenate3A {strides = array<i32>} : memref<4x10240xf32, #tpu.memory_space<vmem>>, vector<4x10240xf32>,
    return
  }
}

module attributes {stable_mosaic.version = 14 : i64} {
  func.func @_affine_body(%arg0: i32, %arg1: memref<1000x4xf32, #tpu.memory_space<vmem>>, %arg2: memref<4x128xf32, #tpu.memory_space<vmem>>, %arg3: memref<1x128xf32, #tpu.memory_space<vmem>>, %arg4: memref<1000x128xf32, #tpu.memory_space<vmem>>) attributes {dimension_semantics = [#tpu.dimension_semantics<arbitrary>], iteration_bounds = array<i64: 10>, scalar_prefetch = 0 : i64, scratch_operands = 0 : i64, tpu.core_type = #tpu.core_type<tc>, window_params = [{transform_indices = @transform_0, window_bounds = array<i64: 1000, 4>}, {pipeline_mode = #tpu.pipeline_mode<synchronous>, transform_indices = @transform_1, window_bounds = array<i64: 4, 128>}, {pipeline_mode = #tpu.pipeline_mode<synchronous>, transform_indices = @transform_2, window_bounds = array<i64: 1, 128>}, {transform_indices = @transform_3, window_bounds = array<i64: 1000, 128>}]} {
    %get3A = arith.constant 0 : index
    %get3A_0 = arith.constant 0 : index
    %get3A_1 = vector.load %arg1[%get3A, %get3A_0] : memref<1000x4xf32, #tpu.memory_space<vmem>>, vector<1000x4xf32>
    %get3A_2 = arith.constant 0 : index
    %get3A_3 = arith.constant 0 : index
    %get3A_4 = vector.load %arg2[%get3A_2, %get3A_3] : memref<4x128xf32, #tpu.memory_space<vmem>>, vector<4x128xf32>
    %dot_general3A = arith.constant dense<0.000000e+00> : vector<1000x128xf32>
    %dot_general3A_5 = tpu.matmul %get3A_1, %get3A_4, %dot_general3A {dimension_numbers = #tpu.dot_dimension_numbers<[1], [0], [0], [1], [0, 0, 1, 1], [], []>, transpose_lhs_hint = false} : vector<1000x4xf32>, vector<4x128xf32>, vector<1000x128xf32> -> vector<1000x128xf32>
    %get3A_6 = arith.constant 0 : index
    %get3A_7 = arith.constant 0 : index
    %get3A_8 = vector.load %arg3[%get3A_6, %get3A_7] : memref<1x128xf32, #tpu.memory_space<vmem>>, vector<1x128xf32>
    %add3A = vector.broadcast %get3A_8 : vector<1x128xf32> to vector<1000x128xf32>
    %add3A_9 = arith.addf %dot_general3A_5, %add3A : vector<1000x128xf32>
    %swap3A = arith.constant 0 : index
    %swap3A_10 = arith.constant 0 : index
    %swap3A_11 = vector.load %arg4[%swap3A, %swap3A_10] : memref<1000x128xf32, #tpu.memory_space<vmem>>, vector<1000x128xf32>
    tpu.vector_store %arg4[%swap3A, %swap3A_10], %add3A_9 {strides = array<i32>} : memref<1000x128xf32, #tpu.memory_space<vmem>>, vector<1000x128xf32>,
    return
  }
  func.func @transform_0(%arg0: i32) -> (i32, i32) {
    %c0_i32 = arith.constant 0 : i32
    %c0_i32_0 = arith.constant 0 : i32
    return %arg0, %c0_i32 : i32, i32
  }
  func.func @transform_1(%arg0: i32) -> (i32, i32) {
    %c0_i32 = arith.constant 0 : i32
    %c0_i32_0 = arith.constant 0 : i32
    %c0_i32_1 = arith.constant 0 : i32
    return %c0_i32, %c0_i32_0 : i32, i32
  }
  func.func @transform_2(%arg0: i32) -> (i32, i32) {
    %c0_i32 = arith.constant 0 : i32
    %c0_i32_0 = arith.constant 0 : i32
    %c0_i32_1 = arith.constant 0 : i32
    return %c0_i32, %c0_i32_0 : i32, i32
  }
  func.func @transform_3(%arg0: i32) -> (i32, i32) {
    %c0_i32 = arith.constant 0 : i32
    %c0_i32_0 = arith.constant 0 : i32
    return %arg0, %c0_i32 : i32, i32
  }
}

</mosaic_0001>

<sc_bundles>
// kernel: kernel.5.cloned.1.call-start
scs
__scs_entry_jumppad:
0x0: {  	(pc) =	sbr.rel $0x88, $3  }
0x1: {  	(tag) =	ssettag $0x0;
	lr =	simm.s32 $0x1  }
0x2: {  	[smem:$0x3F9D] =	sst lr;
	_ =	strace $0xD0000000  }
0x3: {  	_ = 	snop  }
0x4: {  	_ = 	snop  }
0x5: {  	_ = 	snop  }
0x6: {  	_ = 	snop  }
0x7: {  	_ = 	snop  }
__scs_overlays_trampoline_lowered:
0x8: {  	[smem:$0x3FAC] =	sst s0  }
0x9: {  	[smem:$0x3FAD] =	sst s1  }
0xa: {  	[smem:$0x3FAE] =	sst s2  }
0xb: {  	[smem:$0x3FAF] =	sst s3  }
0xc: {  	[smem:$0x3FB0] =	sst s4  }
0xd: {  	[smem:$0x3FB1] =	sst s5  }
0xe: {  	[smem:$0x3FB2] =	sst s6  }
0xf: {  	[smem:$0x3FB3] =	sst s7  }
0x10: {  	[smem:$0x3FB4] =	sst s8  }
0x11: {  	[smem:$0x3FB5] =	sst s9;
	s0 =	simm.s32 @!p0 $0x0  }
0x12: {  	s1 =	sld [smem:$0x3F9B];
	s0 =	simm.s32 @p0 $0x1  }
0x13: {  	[smem:$0x3FB6] =	sst s0;
	s0 =	simm.s32 @!p1 $0x0  }
0x14: {  	s2 =	sld [smem:$0x3F9A];
	s0 =	simm.s32 @p1 $0x1  }
0x15: {  	[smem:$0x3FB7] =	sst s0;
	s0 =	simm.s32 @!p2 $0x0  }
0x16: {  	s3 =	sld [smem:$0x3FDB];
	s0 =	simm.s32 @p2 $0x1  }
0x17: {  	s4 =	simm.s32 $0x1BF5;
	[smem:$0x3FB9] =	sst s0  }
0x18: {  	s0 =	sld [smem:$0x3F9C];
	_ =	swait.ge [sflag:s4], $0x0  }
0x19: {  	s7 =	sld [smem:$0x3F9D]  }
0x1a: {  	s8 =	sadd.s32 $0xFFFFE003, lr  }
0x1b: {  	s9 =	sadd.s32 $0xFFFFFEF7, lr;
	s5 =	simm.s32 $0xFFFFFFFF;
	p2 =	slt.u32 s8, $0xFFFFF086  }
0x1c: {  	p1 =	slt.u32 s9, $0xF7A;
	s5 =	simm.s32 @!p2 $0x0  }
0x1d: {  	s5 =	simm.s32 @p1 $0x1;
	p0 =	seq.s32 s7, s2  }
0x1e: {  	s7 =	smul.u32 @!p0 $0xF7A, s2;
	p2 =	seq.s32 @!p0 s5, $0x0  }
0x1f: {  	s9 =	smul.u32 $0xF7A, s1;
	s8 =	simm.s32 @!p0 $0x1BF5;
	p2 =	por !p2, p0  }
0x20: {  	[sflag:s8] =	ssyncset.s32 @!p0 $0xFFFFF086;
	s6 =	sadd.s32 @!p0 s3, s7;
	s7 =	simm.s32 @!p0 $0x108  }
0x21: {  	s3 =	sadd.s32 s3, s9;
	s6 =	sadd.s32 @!p0 $0x88, s6;
	s7 =	simm.s32 @p2 $0x1082  }
0x22: {  	[simem:s7], [sflag:s8] =	dma.local @!p0 [hbm:s6], $0xF7A  }
0x23: {  	s9 =	sor.u32 $0xD0000000, s2;
	s6 =	simm.s32 $0x108;
	_ =	swait.ge @!p0 [sflag:s8], $0x0  }
0x24: {  	s3 =	sadd.s32 $0x88, s3;
	s6 =	simm.s32 @!p1 $0x1082;
	[sflag:s4] =	ssyncset.s32 $0xFFFFF086  }
0x25: {  	[simem:s6], [sflag:s4] =	dma.local [hbm:s3], $0xF7A  }
0x26: {  	[smem:$0x3F9D] =	sst s1;
	(tag) =	ssettag s2;
	_ =	strace s9  }
0x27: {  	s1 =	sld [smem:$0x3FAD]  }
0x28: {  	s2 =	sld [smem:$0x3FAE]  }
0x29: {  	s4 =	sld [smem:$0x3FB0]  }
0x2a: {  	p0 =	seq.s32 s5, $0x0;
	s5 =	sld [smem:$0x3FB1]  }
0x2b: {  	s6 =	sld [smem:$0x3FB2]  }
0x2c: {  	s7 =	sld [smem:$0x3FB3]  }
0x2d: {  	s3 =	simm.s32 $0x108;
	s8 =	sld [smem:$0x3FB4]  }
0x2e: {  	s3 =	simm.s32 @!p0 $0x1082;
	s9 =	sld [smem:$0x3FB5]  }
0x2f: {  	lr =	sadd.s32 s0, s3;
	s0 =	sld [smem:$0x3FAC]  }
0x30: {  	s3 =	sld [smem:$0x3FAF]  }
0x31: {  	[smem:$0x3FB8] =	sst s10  }
0x32: {  	s10 =	sld [smem:$0x3FB6];
	_ =	sdelay $0x3  }
0x33: {  	p0 =	seq.s32 s10, $0x1;
	s10 =	sld [smem:$0x3FB8];
	_ =	sdelay $0x3  }
0x34: {  	[smem:$0x3FB8] =	sst s10  }
0x35: {  	s10 =	sld [smem:$0x3FB7];
	_ =	sdelay $0x3  }
0x36: {  	p1 =	seq.s32 s10, $0x1;
	s10 =	sld [smem:$0x3FB8];
	_ =	sdelay $0x3  }
0x37: {  	[smem:$0x3FB8] =	sst s10  }
0x38: {  	s10 =	sld [smem:$0x3FB9]  }
0x39: {  	_ = 	snop;
	(pc) =	sbr.ind lr, $3  }
0x3a: {  	_ = 	snop  }
0x3b: {  	_ = 	snop  }
0x3c: {  	p2 =	seq.s32 s10, $0x1;
	s10 =	sld [smem:$0x3FB8]  }
0x3d: {  	_ =	shalt  }
0x3e: {  	_ =	shalt  }
0x3f: {  	_ =	shalt  }
0x40: {  	_ =	shalt  }
0x41: {  	_ =	shalt  }
0x42: {  	_ =	shalt  }
0x43: {  	_ =	shalt  }
0x44: {  	_ =	shalt  }
0x45: {  	_ =	shalt  }
0x46: {  	_ =	shalt  }
0x47: {  	_ =	shalt  }
0x48: {  	_ =	shalt  }
0x49: {  	_ =	shalt  }
0x4a: {  	_ =	shalt  }
0x4b: {  	_ =	shalt  }
0x4c: {  	_ =	shalt  }
0x4d: {  	_ =	shalt  }
0x4e: {  	_ =	shalt  }
0x4f: {  	_ =	shalt  }
0x50: {  	_ =	shalt  }
0x51: {  	_ =	shalt  }
0x52: {  	_ =	shalt  }
0x53: {  	_ =	shalt  }
0x54: {  	_ =	shalt  }
0x55: {  	_ =	shalt  }
0x56: {  	_ =	shalt  }
0x57: {  	_ =	shalt  }
0x58: {  	_ =	shalt  }
0x59: {  	_ =	shalt  }
0x5a: {  	_ =	shalt  }
0x5b: {  	_ =	shalt  }
0x5c: {  	_ =	shalt  }
0x5d: {  	_ =	shalt  }
0x5e: {  	_ =	shalt  }
0x5f: {  	_ =	shalt  }
0x60: {  	_ =	shalt  }
0x61: {  	_ =	shalt  }
0x62: {  	_ =	shalt  }
0x63: {  	_ =	shalt  }
0x64: {  	_ =	shalt  }
0x65: {  	_ =	shalt  }
0x66: {  	_ =	shalt  }
0x67: {  	_ =	shalt  }
0x68: {  	_ =	shalt  }
0x69: {  	_ =	shalt  }
0x6a: {  	_ =	shalt  }
0x6b: {  	_ =	shalt  }
0x6c: {  	_ =	shalt  }
0x6d: {  	_ =	shalt  }
0x6e: {  	_ =	shalt  }
0x6f: {  	_ =	shalt  }
0x70: {  	_ =	shalt  }
0x71: {  	_ =	shalt  }
0x72: {  	_ =	shalt  }
0x73: {  	_ =	shalt  }
0x74: {  	_ =	shalt  }
0x75: {  	_ =	shalt  }
0x76: {  	_ =	shalt  }
0x77: {  	_ =	shalt  }
0x78: {  	_ =	shalt  }
0x79: {  	_ =	shalt  }
0x7a: {  	_ =	shalt  }
0x7b: {  	_ =	shalt  }
0x7c: {  	_ =	shalt  }
0x7d: {  	_ =	shalt  }
0x7e: {  	_ =	shalt  }
0x7f: {  	_ =	shalt  }
0x80: {  	_ =	shalt  }
0x81: {  	_ =	shalt  }
0x82: {  	_ =	shalt  }
0x83: {  	_ =	shalt  }
0x84: {  	_ =	shalt  }
0x85: {  	_ =	shalt  }
0x86: {  	_ =	shalt  }
0x87: {  	_ =	shalt  }
.Lfunc_end0:
.L_simem_size_0:
called_computation_lowered:
.L_overlay_start_0:
0x88: {  	s2 =	sld [smem:$0x3FD9]  }
0x89: {  	s3 =	sld [smem:$0x3FFE];
	_ =	sdelay $0x1  }
0x8a: {  	s1 =	srdreg.scid  }
0x8b: {  	s0 =	sand.u32 $0x1, s1  }
0x8c: {  	s17 =	sshll.u32 s0, $0xA;
	s2 =	sadd.s32 s3, s2  }
0x8d: {  	s2 =	sadd.s32 s2, s17  }
0x8e: {  	[smem:$0x3FC4] =	sst s2  }
0x8f: {  	_ = 	snop  }
0x90: {  	s2 =	sld [smem:$0x3FD0];
	(tm) =	ssettm $0x1  }
0x91: {  	s18 =	sld [smem:$0x3FFB];
	_ =	sdelay $0x3  }
0x92: {  	_ =	strace s18  }
0x93: {  	s3 =	sld [smem:$0x3FFC];
	_ =	sdelay $0x3  }
0x94: {  	_ =	strace s3  }
0x95: {  	s3 =	sld [smem:$0x3FFD];
	_ =	sdelay $0x3  }
0x96: {  	_ =	strace s3  }
0x97: {  	_ =	strace $0x8FFFFFFF  }
0x98: {  	s19 =	sld [smem:$0x3FDB];
	_ =	sdelay $0x1  }
0x99: {  	s4 =	simm.s32 $_scs_section_size  }
0x9a: {  	s5 =	simm.s32 $_size__tile_overlayer_lowered;
	s6 =	simm.s32 $_tile_overlayer_lowered  }
0x9b: {  	s22 =	simm.s32 $0x1BFF;
	s21 =	sshll.u32 s6, $0x1;
	s3 =	sadd.s32 s4, s19  }
0x9c: {  	s7 =	simm.s32 $0x0;
	s20 =	sshll.u32 s5, $0x1;
	s5 =	sadd.s32 s21, s3  }
0x9d: {  	[timem:s7], [sflag:s22] =	dma.local [hbm:s5], s20  }
0x9e: {  	_ =	swait.ge [sflag:s22], s20  }
0x9f: {  	s4 =	ssub.s32 $0x0, s20;
	[sflag:s22] =	ssyncset.done $0x0  }
0xa0: {  	[sflag:s22] =	ssyncadd.s32 s4;
	_ =	sdelay $0x1  }
0xa1: {  	s23 =	simm.s32 $0x1B8B  }
0xa2: {  	_ =	swait.ge [sflag:s23], $0x1  }
0xa3: {  	[sflag:s23] =	ssyncset.done $0x0  }
0xa4: {  	s25 =	simm.s32 $0x1B8E;
	s24 =	sld [smem:$0x3FFE];
	[sflag:s23] =	ssyncadd.s32 $0xFFFFFFFF  }
0xa5: {  	s26 =	simm.s32 $execute0_lowered;
	[smem:$0x3FD2] =	sst s25  }
0xa6: {  	s5 =	sshll.u32 s26, $0x1;
	_ =	strace $0x80000046;
	[dreg:$0x1] =	wrdreg $0xFFFFFFFF  }
0xa7: {  	s28 =	simm.s32 $_size_execute0_lowered;
	s3 =	sadd.s32 s3, s5;
	[dreg:$0x0] =	wrdreg $0x0  }
0xa8: {  	s5 =	sshll.u32 s28, $0x1;
	[dreg:$0x2] =	wrdreg s3  }
0xa9: {  	[dreg:$0x3] =	wrdreg s5  }
0xaa: {  	[dreg:$0x4] =	wrdreg $0xC0  }
0xab: {  	_ =	task [dreg:s7], $0x5FFFF  }
0xac: {  	[dreg:$0x1] =	wrdreg $0xFFFFFFFF  }
0xad: {  	[dreg:$0x0] =	wrdreg $0x60  }
0xae: {  	[dreg:$0x2] =	wrdreg s2  }
0xaf: {  	[dreg:$0x3] =	wrdreg s24  }
0xb0: {  	[dreg:$0x4] =	wrdreg $0x168000  }
0xb1: {  	[dreg:$0x5] =	wrdreg $0x9  }
0xb2: {  	_ =	task.clear_ibuf [dreg:s7], $0x6FFFF;
	_ =	strace $0x90000046  }
0xb3: {  	s29 =	simm.s32 $0x9;
	_ =	strace $0x80000048  }
0xb4: {  	_ =	swait.ge [sflag:s29], $0x1  }
0xb5: {  	[sflag:s29] =	ssyncadd.s32 $0xFFFFFFFF  }
0xb6: {  	_ =	strace $0x90000048  }
0xb7: {  	_ =	sfence  }
0xb8: {  	s30 =	sld [smem:$0x0];
	_ =	sdelay $0x2  }
0xb9: {  	s31 =	sshll.u32 s1, $0xD;
	s1 =	sshrl.u32 s1, $0x2  }
0xba: {  	s3 =	sand.u32 $0x4000, s31;
	s1 =	sadd.s32 s1, s30  }
0xbb: {  	s0 =	sor.u32 s3, s0;
	s1 =	sshll.u32 s1, $0x11  }
0xbc: {  	s0 =	sor.u32 s1, s0  }
0xbd: {  	s0 =	sadd.s32 $0x8F2B, s0  }
0xbe: {  	[sflag:s0] =	ssyncadd.remote.s32 $0x1  }
0xbf: {  	_ =	sfence.sel $0xFFFF  }
0xc0: {  	[dreg:$0x0] =	wrdreg $0xFFFFFFFF;
	(pc) =	sbr.abs _section_cstart, $3  }
0xc1: {  	[dreg:$0x1] =	wrdreg $0xFFFFFFFF  }
0xc2: {  	_ =	task.clear_ibuf [dreg:s7], $0x2FFFF;
	_ =	strace $0x9FFFFFFF  }
0xc3: {  	(tm) =	ssettm $0x7FFFFFFF  }
tec
execute0_lowered:
.L_overlay_start_1:
0x0: {  	(tag) =	ssettag $0x1  }
0x1: {  	s5 =	rddreg [dreg:$0x0]  }
0x2: {  	s10 =	rddreg [dreg:$0x1]  }
0x3: {  	s1 =	rddreg [dreg:$0x2]  }
0x4: {  	s0 =	rddreg [dreg:$0x3]  }
0x5: {  	s2 =	simm.s32 $0x0;
	s13 =	stileid.u32;
	s3 =	srdreg.scid  }
0x6: {  	s12 =	simm.s32 $0x1;
	s14 =	simm.s32 $0x5000;
	s16 =	simm.s32 $0x80  }
0x7: {  	s17 =	simm.s32 $0x14000;
	s18 =	simm.s32 $0x0;
	[smem:$0x7FF] =	sst s2  }
0x8: {  	s6 =	smul.u32 $0xA00, s13;
	s7 =	sand.u32 $0x1, s3;
	s3 =	sadd.s32 $0x14600, s10  }
0x9: {  	s4 =	sadd.s32 $0x14C00, s10;
	p1 =	sne.s32 s13, $0x0;
	s13 =	simm.s32 $0xA000  }
.Ltmp0:
0xa: {  	_ =	strace $0x80000047;
	s8 =	ssub.s32 $0x2, s7;
	(pc) =	sbr.rel .LBB2_1-.Ltmp0, $4  }
0xb: {  	p0 =	seq.s32 s7, $0x1;
	s15 =	sshrl.u32 @!p1 s1, $0x3;
	s11 =	sshrl.u32 s8, $0x1  }
0xc: {  	s9 =	sadd.s32 s6, s10;
	s5 =	sadd.s32 s5, s6;
	s11 =	ssub.s32 s8, s11  }
0xd: {  	s6 =	sadd.s32 $0xA600, s9;
	s7 =	sadd.s32 $0x600, s9;
	s8 =	sadd.s32 $0x14C10, s10  }
0xe: {  	s9 =	sadd.s32 $0x14C20, s10;
	s10 =	sadd.s32 $0x14C30, s10;
	s11 =	smax.u32 s11, $0x1  }
.LBB2_11:
0xf: {  	s19 =	sshra.s32 s19, $0x2;
	[sflag:s12] =	ssyncadd.s32 $0xFFFFFF80  }
0x10: {  	v0 =	vld [tilespmem:s19+$0x0];
	_ =	sdelay $0x5  }
0x11: {  	v1 =	vld [tilespmem:s19+$0x10]  }
0x12: {  	v2 =	vld [tilespmem:s19+$0xA000]  }
0x13: {  	v0 =	vld.idx.msk [tilespmem:v0+s17+$0x0], $0xffff;
	_ =	sdelay $0x4  }
0x14: {  	v0 =	vmul.f32 v2, v0  }
0x15: {  	v51 =	vld [tilespmem:s19+$0x20]  }
0x16: {  	v52 =	vld [tilespmem:s19+$0xA010];
	[tilespmem:s19+$0xF000] =	vst v0  }
0x17: {  	v1 =	vld.idx.msk [tilespmem:v1+s17+$0x0], $0xffff;
	_ =	sdelay $0x4  }
0x18: {  	v1 =	vmul.f32 v52, v1  }
0x19: {  	v53 =	vld [tilespmem:s19+$0x30]  }
0x1a: {  	v54 =	vld [tilespmem:s19+$0xA020];
	[tilespmem:s19+$0xF010] =	vst v1  }
0x1b: {  	v0 =	vld.idx.msk [tilespmem:v51+s17+$0x0], $0xffff;
	_ =	sdelay $0x4  }
0x1c: {  	v0 =	vmul.f32 v54, v0  }
0x1d: {  	v55 =	vld [tilespmem:s19+$0x40]  }
0x1e: {  	v56 =	vld [tilespmem:s19+$0xA030];
	[tilespmem:s19+$0xF020] =	vst v0  }
0x1f: {  	v1 =	vld.idx.msk [tilespmem:v53+s17+$0x0], $0xffff;
	_ =	sdelay $0x4  }
0x20: {  	v1 =	vmul.f32 v56, v1  }
0x21: {  	v57 =	vld [tilespmem:s19+$0x50]  }
0x22: {  	v58 =	vld [tilespmem:s19+$0xA040];
	[tilespmem:s19+$0xF030] =	vst v1  }
0x23: {  	v0 =	vld.idx.msk [tilespmem:v55+s17+$0x0], $0xffff;
	_ =	sdelay $0x4  }
0x24: {  	v0 =	vmul.f32 v58, v0  }
0x25: {  	v59 =	vld [tilespmem:s19+$0x60]  }
0x26: {  	v60 =	vld [tilespmem:s19+$0xA050];
	[tilespmem:s19+$0xF040] =	vst v0  }
0x27: {  	v1 =	vld.idx.msk [tilespmem:v57+s17+$0x0], $0xffff;
	_ =	sdelay $0x4  }
0x28: {  	v1 =	vmul.f32 v60, v1  }
0x29: {  	v61 =	vld [tilespmem:s19+$0x70]  }
0x2a: {  	v62 =	vld [tilespmem:s19+$0xA060];
	[tilespmem:s19+$0xF050] =	vst v1  }
0x2b: {  	v0 =	vld.idx.msk [tilespmem:v59+s17+$0x0], $0xffff;
	_ =	sdelay $0x4  }
0x2c: {  	v0 =	vmul.f32 v62, v0;
	_ =	sdelay $0x1  }
0x2d: {  	v63 =	vld [tilespmem:s19+$0xA070];
	[tilespmem:s19+$0xF060] =	vst v0  }
0x2e: {  	v0 =	vld.idx.msk [tilespmem:v61+s17+$0x0], $0xffff;
	_ =	sdelay $0x4  }
0x2f: {  	v0 =	vmul.f32 v63, v0;
	_ =	sdelay $0x1  }
0x30: {  	s20 =	sadd.s32 $0xF000, s19;
	[tilespmem:s19+$0xF070] =	vst v0;
	s19 =	sadd.s32 $0x5000, s19  }
0x31: {  	[spmem:s1] =	stream.indirect.scatter.add.f32 [tilespmem:s20], [sflag:$0x1], $0x1, s19, s16, $0xb8;
	[tilespmem:$0x16A80] =	vst v63  }
0x32: {  	_ =	swait.ge [sflag:s12], $0x80  }
0x33: {  	[sflag:s12] =	ssyncset.done $0x0  }
0x34: {  	s21 =	simm.s32 @!p1 $0x10;
	s22 =	simm.s32 @!p1 $0x1C01;
	[sflag:s12] =	ssyncadd.s32 $0xFFFFFF80  }
0x35: {  	s19 =	simm.s32 @!p1 $0x1;
	s20 =	simm.s32 @!p1 $0x40;
	[bflag:$0x0] =	sbarrier.arrive $0xFFFF  }
0x36: {  	[hbm:s10@s20], [sflag:s22] =	dma.strided @!p1 [spmem:s15@s21], $0x500, s19, $0x10   }
0x37: {  	_ =	swait.ge @!p1 [sflag:s19], $0x500  }
0x38: {  	[sflag:s19] =	ssyncset.done @!p1 $0x0  }
0x39: {  	[sflag:s19] =	ssyncadd.s32 @!p1 $0xFFFFFB00  }
0x3a: {  	[bflag:$0x0] =	sbarrier.arrive $0xFFFF  }
.LBB2_12:
0x3b: {  	s18 =	sadd.s32 $0x1, s18  }
0x3c: {  	p2 =	sne.s32 s18, s11  }
.Ltmp1:
0x3d: {  	_ = 	snop;
	(pc) =	sbr.rel @!p2 .LBB2_13-.Ltmp1, $1  }
0x3e: {  	_ =	sdelay $0x3  }
.LBB2_1:
0x3f: {  	[tilespmem:s2], [sflag:$0x1] =	stream.linear.gather [hbm4b:s5+s2], $0x4E80, $0x38;
	[tilespmem:$0x16A80] =	vst v63  }
0x40: {  	_ =	swait.ge [sflag:s12], $0x4E80  }
0x41: {  	[sflag:s12] =	ssyncset.done $0x0  }
.Ltmp2:
0x42: {  	[sflag:s12] =	ssyncadd.s32 $0xFFFFB180;
	(pc) =	sbr.rel @!p0 .LBB2_2-.Ltmp2, $4  }
0x43: {  	[tilespmem:s13], [sflag:$0x1] =	stream.linear.gather [hbm4b:s6+s2], $0x4E80, $0x38;
	[tilespmem:$0x16A80] =	vst v63  }
0x44: {  	_ =	swait.ge [sflag:s12], $0x4E80  }
0x45: {  	[sflag:s12] =	ssyncset.done $0x0  }
0x46: {  	[sflag:s12] =	ssyncadd.s32 $0xFFFFB180  }
0x47: {  	[tilespmem:s14], [sflag:$0x1] =	stream.linear.gather [hbm4b:s7+s2], $0x4E80, $0x38;
	[tilespmem:$0x16A80] =	vst v63  }
0x48: {  	_ =	swait.ge [sflag:s12], $0x4E80  }
0x49: {  	[sflag:s12] =	ssyncset.done $0x0  }
0x4a: {  	s19 =	simm.s32 @!p1 $0x1C01;
	[sflag:s12] =	ssyncadd.s32 $0xFFFFB180  }
0x4b: {  	[spmem:s15], [sflag:s19] =	dma.local @!p1 [hbm:s3], $0x500  }
0x4c: {  	s19 =	simm.s32 @!p1 $0x1  }
0x4d: {  	_ =	swait.ge @!p1 [sflag:s19], $0x500  }
0x4e: {  	[sflag:s19] =	ssyncset.done @!p1 $0x0  }
0x4f: {  	[sflag:s19] =	ssyncadd.s32 @!p1 $0xFFFFFB00  }
0x50: {  	s19 =	simm.s32 $0x0;
	[bflag:$0x0] =	sbarrier.arrive $0xFFFF  }
0x51: {  	v0 =	vld [tilespmem:s19+$0xA070]  }
0x52: {  	v1 =	vld [tilespmem:s19+$0xA020]  }
0x53: {  	v2 =	vld [tilespmem:s19+$0xA040]  }
0x54: {  	v3 =	vld [tilespmem:s19+$0xA030]  }
0x55: {  	v4 =	vld [tilespmem:s19+$0xA050]  }
0x56: {  	v5 =	vld [tilespmem:s19+$0xA010];
	v6 =	vmul.f32 $9.999999740e-05, v0  }
0x57: {  	v0 =	vld [tilespmem:s19+$0xA060];
	v7 =	vmul.f32 $9.999999740e-05, v1  }
0x58: {  	v1 =	vld [tilespmem:s19+$0xA000];
	v2 =	vmul.f32 $9.999999740e-05, v2;
	[tilespmem:s19+$0xF070] =	vst v6  }
0x59: {  	v63 =	vmul.f32 $9.999999740e-05, v3;
	[tilespmem:s19+$0xF020] =	vst v7  }
0x5a: {  	v3 =	vmul.f32 $9.999999740e-05, v4;
	[tilespmem:s19+$0xF040] =	vst v2  }
0x5b: {  	s20 =	simm.s32 $0x200;
	v2 =	vmul.f32 $9.999999740e-05, v5;
	[tilespmem:s19+$0xF030] =	vst v63  }
.LBB2_6:
0x5c: {  	p2 =	sne.s32 s20, $0x13800;
	[tilespmem:s19+$0xF050] =	vst v3;
	s21 =	smov.u32 s20;
	s20 =	sadd.s32 $0x200, s20  }
0x5d: {  	v0 =	vmul.f32 $9.999999740e-05, v0;
	v1 =	vmul.f32 $9.999999740e-05, v1;
	[tilespmem:s19+$0xF010] =	vst v2;
	_ =	sdelay $0x1  }
0x5e: {  	s22 =	sadd.s32 $0xF000, s19;
	s23 =	sadd.s32 $0x5000, s19;
	[tilespmem:s19+$0xF000] =	vst v1  }
0x5f: {  	[tilespmem:s19+$0xF060] =	vst v0  }
0x60: {  	[spmem:s1] =	stream.indirect.scatter.add.f32 [tilespmem:s22], [sflag:$0x1], $0x1, s23, s16, $0xb8;
	[tilespmem:$0x16A80] =	vst v63  }
0x61: {  	_ =	swait.ge [sflag:s12], $0x80  }
0x62: {  	[sflag:s12] =	ssyncset.done $0x0  }
0x63: {  	s19 =	sshra.s32 s21, $0x2;
	[sflag:s12] =	ssyncadd.s32 $0xFFFFFF80  }
0x64: {  	v0 =	vld [tilespmem:s19+$0xA070]  }
0x65: {  	v1 =	vld [tilespmem:s19+$0xA020]  }
0x66: {  	v2 =	vld [tilespmem:s19+$0xA040]  }
0x67: {  	v3 =	vld [tilespmem:s19+$0xA030]  }
0x68: {  	v4 =	vld [tilespmem:s19+$0xA050]  }
0x69: {  	v5 =	vld [tilespmem:s19+$0xA010];
	v6 =	vmul.f32 $9.999999740e-05, v0  }
.Ltmp3:
0x6a: {  	v7 =	vmul.f32 $9.999999740e-05, v1;
	v0 =	vld [tilespmem:s19+$0xA060];
	(pc) =	sbr.rel @p2 .LBB2_6-.Ltmp3, $4  }
0x6b: {  	v1 =	vld [tilespmem:s19+$0xA000];
	v2 =	vmul.f32 $9.999999740e-05, v2;
	[tilespmem:s19+$0xF070] =	vst v6  }
0x6c: {  	[tilespmem:s19+$0xF020] =	vst v7;
	v6 =	vmul.f32 $9.999999740e-05, v3  }
0x6d: {  	[tilespmem:s19+$0xF040] =	vst v2;
	v3 =	vmul.f32 $9.999999740e-05, v4  }
0x6e: {  	v2 =	vmul.f32 $9.999999740e-05, v5;
	[tilespmem:s19+$0xF030] =	vst v6  }
0x6f: {  	[tilespmem:s19+$0xF050] =	vst v3;
	v0 =	vmul.f32 $9.999999740e-05, v0  }
0x70: {  	v1 =	vmul.f32 $9.999999740e-05, v1;
	[tilespmem:s19+$0xF010] =	vst v2  }
0x71: {  	[tilespmem:s19+$0xF060] =	vst v0  }
0x72: {  	s20 =	sadd.s32 $0xF000, s19;
	s21 =	sadd.s32 $0x5000, s19;
	[tilespmem:s19+$0xF000] =	vst v1  }
0x73: {  	[spmem:s1] =	stream.indirect.scatter.add.f32 [tilespmem:s20], [sflag:$0x1], $0x1, s21, s16, $0xb8;
	[tilespmem:$0x16A80] =	vst v63  }
0x74: {  	_ =	swait.ge [sflag:s12], $0x80  }
0x75: {  	[sflag:s12] =	ssyncset.done $0x0  }
0x76: {  	[sflag:s12] =	ssyncadd.s32 $0xFFFFFF80  }
0x77: {  	s19 =	simm.s32 @p1 $0x80;
	[bflag:$0x0] =	sbarrier.arrive $0xFFFF  }
0x78: {  	s20 =	simm.s32 @p1 $0x200;
	s21 =	simm.s32 @p1 $0x14000;
	[bflag:$0x0] =	sbarrier.arrive @p1 $0xFFFF  }
0x79: {  	[tilespmem:s21], [sflag:$0x1] =	stream.strided.gather @p1 [hbm4b:s8+s19], $0x2800, s20, s19, $0x38;
	[tilespmem:$0x16A80] =	vst v63  }
0x7a: {  	s19 =	simm.s32 @p1 $0x1  }
0x7b: {  	_ =	swait.ge @p1 [sflag:s19], $0x2800  }
0x7c: {  	s22 =	simm.s32 @!p1 $0x1C01;
	s20 =	simm.s32 @!p1 $0x40;
	[sflag:s19] =	ssyncset.done @p1 $0x0  }
0x7d: {  	s21 =	simm.s32 @!p1 $0x10;
	[sflag:s19] =	ssyncadd.s32 @p1 $0xFFFFD800;
	s19 =	simm.s32 @!p1 $0x1  }
0x7e: {  	[hbm:s8@s20], [sflag:s22] =	dma.strided @!p1 [spmem:s15@s21], $0x500, s19, $0x10   }
0x7f: {  	_ =	swait.ge @!p1 [sflag:s19], $0x500  }
0x80: {  	[sflag:s19] =	ssyncset.done @!p1 $0x0  }
0x81: {  	s23 =	simm.s32 @!p1 $0x14000;
	[sflag:s19] =	ssyncadd.s32 @!p1 $0xFFFFFB00  }
0x82: {  	s20 =	simm.s32 @!p1 $0x80;
	s21 =	simm.s32 @!p1 $0x200;
	[bflag:$0x0] =	sbarrier.arrive @!p1 $0xFFFF  }
0x83: {  	[tilespmem:s23], [sflag:$0x1] =	stream.strided.gather @!p1 [hbm4b:s8+s20], $0x2800, s21, s20, $0x38;
	[tilespmem:$0x16A80] =	vst v63  }
0x84: {  	_ =	swait.ge @!p1 [sflag:s19], $0x2800  }
0x85: {  	[sflag:s19] =	ssyncset.done @!p1 $0x0  }
0x86: {  	[sflag:s19] =	ssyncadd.s32 @!p1 $0xFFFFD800  }
0x87: {  	[spmem:s15], [sflag:s22] =	dma.local @!p1 [hbm:s3], $0x500  }
0x88: {  	_ =	swait.ge @!p1 [sflag:s19], $0x500  }
0x89: {  	[sflag:s19] =	ssyncset.done @!p1 $0x0  }
0x8a: {  	[sflag:s19] =	ssyncadd.s32 @!p1 $0xFFFFFB00  }
0x8b: {  	s29 =	simm.s32 $0x0;
	[bflag:$0x0] =	sbarrier.arrive $0xFFFF  }
0x8c: {  	v48 =	vld [tilespmem:s29+$0x0];
	_ =	sdelay $0x5  }
0x8d: {  	v49 =	vld [tilespmem:s29+$0x10]  }
0x8e: {  	v50 =	vld [tilespmem:s29+$0xA000]  }
0x8f: {  	v0 =	vld.idx.msk [tilespmem:v48+s17+$0x0], $0xffff;
	_ =	sdelay $0x4  }
0x90: {  	v0 =	vmul.f32 v50, v0  }
0x91: {  	v51 =	vld [tilespmem:s29+$0x20]  }
0x92: {  	v52 =	vld [tilespmem:s29+$0xA010];
	[tilespmem:s29+$0xF000] =	vst v0  }
0x93: {  	v1 =	vld.idx.msk [tilespmem:v49+s17+$0x0], $0xffff;
	_ =	sdelay $0x4  }
0x94: {  	v1 =	vmul.f32 v52, v1  }
0x95: {  	v53 =	vld [tilespmem:s29+$0x30]  }
0x96: {  	v54 =	vld [tilespmem:s29+$0xA020];
	[tilespmem:s29+$0xF010] =	vst v1  }
0x97: {  	v0 =	vld.idx.msk [tilespmem:v51+s17+$0x0], $0xffff;
	_ =	sdelay $0x4  }
0x98: {  	v0 =	vmul.f32 v54, v0  }
0x99: {  	v55 =	vld [tilespmem:s29+$0x40]  }
0x9a: {  	v56 =	vld [tilespmem:s29+$0xA030];
	[tilespmem:s29+$0xF020] =	vst v0  }
0x9b: {  	v1 =	vld.idx.msk [tilespmem:v53+s17+$0x0], $0xffff;
	_ =	sdelay $0x4  }
0x9c: {  	v1 =	vmul.f32 v56, v1  }
0x9d: {  	v57 =	vld [tilespmem:s29+$0x50]  }
0x9e: {  	v58 =	vld [tilespmem:s29+$0xA040];
	[tilespmem:s29+$0xF030] =	vst v1  }
0x9f: {  	v0 =	vld.idx.msk [tilespmem:v55+s17+$0x0], $0xffff;
	_ =	sdelay $0x4  }
0xa0: {  	v0 =	vmul.f32 v58, v0  }
0xa1: {  	v59 =	vld [tilespmem:s29+$0x60]  }
0xa2: {  	v60 =	vld [tilespmem:s29+$0xA050];
	[tilespmem:s29+$0xF040] =	vst v0  }
0xa3: {  	v1 =	vld.idx.msk [tilespmem:v57+s17+$0x0], $0xffff;
	_ =	sdelay $0x4  }
0xa4: {  	v1 =	vmul.f32 v60, v1  }
0xa5: {  	v61 =	vld [tilespmem:s29+$0x70]  }
0xa6: {  	v62 =	vld [tilespmem:s29+$0xA060];
	[tilespmem:s29+$0xF050] =	vst v1  }
0xa7: {  	v0 =	vld.idx.msk [tilespmem:v59+s17+$0x0], $0xffff;
	_ =	sdelay $0x4  }
0xa8: {  	v0 =	vmul.f32 v62, v0;
	_ =	sdelay $0x1  }
0xa9: {  	v63 =	vld [tilespmem:s29+$0xA070];
	[tilespmem:s29+$0xF060] =	vst v0  }
0xaa: {  	v0 =	vld.idx.msk [tilespmem:v61+s17+$0x0], $0xffff;
	_ =	sdelay $0x4  }
0xab: {  	v0 =	vmul.f32 v63, v0;
	_ =	sdelay $0x1  }
0xac: {  	s30 =	simm.s32 $0xF000;
	s31 =	simm.s32 $0x5000;
	[tilespmem:s29+$0xF070] =	vst v0  }
0xad: {  	[spmem:s1] =	stream.indirect.scatter.add.f32 [tilespmem:s30], [sflag:$0x1], $0x1, s31, s16, $0xb8;
	[tilespmem:$0x16A80] =	vst v63  }
0xae: {  	_ =	swait.ge [sflag:s12], $0x80  }
0xaf: {  	s22 =	simm.s32 $0x400;
	s19 =	simm.s32 $0x200;
	[sflag:s12] =	ssyncset.done $0x0  }
.LBB2_8:
0xb0: {  	s21 =	sshra.s32 s19, $0x2  }
0xb1: {  	[sflag:s12] =	ssyncadd.s32 $0xFFFFFF80;
	s19 =	smov.u32 s22;
	s20 =	sadd.s32 $0x200, s22  }
0xb2: {  	p2 =	sne.s32 s22, $0x13800;
	v0 =	vld [tilespmem:s21+$0x0];
	_ =	sdelay $0x6  }
0xb3: {  	v1 =	vld [tilespmem:s21+$0x10]  }
0xb4: {  	v0 =	vld.idx.msk [tilespmem:v0+s17+$0x0], $0xffff  }
0xb5: {  	v2 =	vld [tilespmem:s21+$0xA000];
	_ =	sdelay $0x4  }
0xb6: {  	v0 =	vmul.f32 v2, v0;
	_ =	sdelay $0x1  }
0xb7: {  	[tilespmem:s21+$0xF000] =	vst v0;
	v0 =	vld [tilespmem:s21+$0x20]  }
0xb8: {  	v1 =	vld.idx.msk [tilespmem:v1+s17+$0x0], $0xffff  }
0xb9: {  	v2 =	vld [tilespmem:s21+$0xA010];
	_ =	sdelay $0x4  }
0xba: {  	v1 =	vmul.f32 v2, v1;
	_ =	sdelay $0x1  }
0xbb: {  	[tilespmem:s21+$0xF010] =	vst v1;
	v1 =	vld [tilespmem:s21+$0x30]  }
0xbc: {  	v0 =	vld.idx.msk [tilespmem:v0+s17+$0x0], $0xffff  }
0xbd: {  	v2 =	vld [tilespmem:s21+$0xA020];
	_ =	sdelay $0x4  }
0xbe: {  	v0 =	vmul.f32 v2, v0;
	_ =	sdelay $0x1  }
0xbf: {  	[tilespmem:s21+$0xF020] =	vst v0;
	v0 =	vld [tilespmem:s21+$0x40]  }
0xc0: {  	v1 =	vld.idx.msk [tilespmem:v1+s17+$0x0], $0xffff  }
0xc1: {  	v2 =	vld [tilespmem:s21+$0xA030];
	_ =	sdelay $0x4  }
0xc2: {  	v1 =	vmul.f32 v2, v1;
	_ =	sdelay $0x1  }
0xc3: {  	[tilespmem:s21+$0xF030] =	vst v1;
	v1 =	vld [tilespmem:s21+$0x50]  }
0xc4: {  	v0 =	vld.idx.msk [tilespmem:v0+s17+$0x0], $0xffff  }
0xc5: {  	v2 =	vld [tilespmem:s21+$0xA040];
	_ =	sdelay $0x4  }
0xc6: {  	v0 =	vmul.f32 v2, v0;
	_ =	sdelay $0x1  }
0xc7: {  	[tilespmem:s21+$0xF040] =	vst v0;
	v0 =	vld [tilespmem:s21+$0x60]  }
0xc8: {  	v1 =	vld.idx.msk [tilespmem:v1+s17+$0x0], $0xffff  }
0xc9: {  	v2 =	vld [tilespmem:s21+$0xA050];
	_ =	sdelay $0x4  }
0xca: {  	v1 =	vmul.f32 v2, v1;
	_ =	sdelay $0x1  }
0xcb: {  	[tilespmem:s21+$0xF050] =	vst v1;
	v1 =	vld [tilespmem:s21+$0x70]  }
0xcc: {  	v0 =	vld.idx.msk [tilespmem:v0+s17+$0x0], $0xffff  }
0xcd: {  	v2 =	vld [tilespmem:s21+$0xA060];
	_ =	sdelay $0x4  }
0xce: {  	v0 =	vmul.f32 v2, v0;
	_ =	sdelay $0x1  }
0xcf: {  	[tilespmem:s21+$0xF060] =	vst v0  }
0xd0: {  	v0 =	vld.idx.msk [tilespmem:v1+s17+$0x0], $0xffff  }
0xd1: {  	v1 =	vld [tilespmem:s21+$0xA070];
	_ =	sdelay $0x4  }
0xd2: {  	v0 =	vmul.f32 v1, v0  }
.Ltmp4:
0xd3: {  	(pc) =	sbr.rel @p2 .LBB2_8-.Ltmp4, $4  }
0xd4: {  	s22 =	sadd.s32 $0xF000, s21;
	[tilespmem:s21+$0xF070] =	vst v0;
	s21 =	sadd.s32 $0x5000, s21  }
0xd5: {  	[spmem:s1] =	stream.indirect.scatter.add.f32 [tilespmem:s22], [sflag:$0x1], $0x1, s21, s16, $0xb8;
	[tilespmem:$0x16A80] =	vst v63  }
0xd6: {  	_ =	swait.ge [sflag:s12], $0x80  }
0xd7: {  	s22 =	smov.u32 s20;
	[sflag:s12] =	ssyncset.done $0x0  }
0xd8: {  	s19 =	sshra.s32 s19, $0x2;
	[sflag:s12] =	ssyncadd.s32 $0xFFFFFF80  }
0xd9: {  	v0 =	vld [tilespmem:s19+$0x0];
	_ =	sdelay $0x5  }
0xda: {  	v1 =	vld [tilespmem:s19+$0x10]  }
0xdb: {  	v2 =	vld [tilespmem:s19+$0xA000]  }
0xdc: {  	v0 =	vld.idx.msk [tilespmem:v0+s17+$0x0], $0xffff;
	_ =	sdelay $0x4  }
0xdd: {  	v0 =	vmul.f32 v2, v0  }
0xde: {  	v35 =	vld [tilespmem:s19+$0x20]  }
0xdf: {  	v36 =	vld [tilespmem:s19+$0xA010];
	[tilespmem:s19+$0xF000] =	vst v0  }
0xe0: {  	v1 =	vld.idx.msk [tilespmem:v1+s17+$0x0], $0xffff;
	_ =	sdelay $0x4  }
0xe1: {  	v1 =	vmul.f32 v36, v1  }
0xe2: {  	v37 =	vld [tilespmem:s19+$0x30]  }
0xe3: {  	v38 =	vld [tilespmem:s19+$0xA020];
	[tilespmem:s19+$0xF010] =	vst v1  }
0xe4: {  	v0 =	vld.idx.msk [tilespmem:v35+s17+$0x0], $0xffff;
	_ =	sdelay $0x4  }
0xe5: {  	v0 =	vmul.f32 v38, v0  }
0xe6: {  	v39 =	vld [tilespmem:s19+$0x40]  }
0xe7: {  	v40 =	vld [tilespmem:s19+$0xA030];
	[tilespmem:s19+$0xF020] =	vst v0  }
0xe8: {  	v1 =	vld.idx.msk [tilespmem:v37+s17+$0x0], $0xffff;
	_ =	sdelay $0x4  }
0xe9: {  	v1 =	vmul.f32 v40, v1  }
0xea: {  	v41 =	vld [tilespmem:s19+$0x50]  }
0xeb: {  	v42 =	vld [tilespmem:s19+$0xA040];
	[tilespmem:s19+$0xF030] =	vst v1  }
0xec: {  	v0 =	vld.idx.msk [tilespmem:v39+s17+$0x0], $0xffff;
	_ =	sdelay $0x4  }
0xed: {  	v0 =	vmul.f32 v42, v0  }
0xee: {  	v43 =	vld [tilespmem:s19+$0x60]  }
0xef: {  	v44 =	vld [tilespmem:s19+$0xA050];
	[tilespmem:s19+$0xF040] =	vst v0  }
0xf0: {  	v1 =	vld.idx.msk [tilespmem:v41+s17+$0x0], $0xffff;
	_ =	sdelay $0x4  }
0xf1: {  	v1 =	vmul.f32 v44, v1  }
0xf2: {  	v45 =	vld [tilespmem:s19+$0x70]  }
0xf3: {  	v46 =	vld [tilespmem:s19+$0xA060];
	[tilespmem:s19+$0xF050] =	vst v1  }
0xf4: {  	v0 =	vld.idx.msk [tilespmem:v43+s17+$0x0], $0xffff;
	_ =	sdelay $0x4  }
0xf5: {  	v0 =	vmul.f32 v46, v0;
	_ =	sdelay $0x1  }
0xf6: {  	v47 =	vld [tilespmem:s19+$0xA070];
	[tilespmem:s19+$0xF060] =	vst v0  }
0xf7: {  	v0 =	vld.idx.msk [tilespmem:v45+s17+$0x0], $0xffff;
	_ =	sdelay $0x4  }
0xf8: {  	v0 =	vmul.f32 v47, v0;
	_ =	sdelay $0x1  }
0xf9: {  	s20 =	sadd.s32 $0xF000, s19;
	[tilespmem:s19+$0xF070] =	vst v0;
	s19 =	sadd.s32 $0x5000, s19  }
0xfa: {  	[spmem:s1] =	stream.indirect.scatter.add.f32 [tilespmem:s20], [sflag:$0x1], $0x1, s19, s16, $0xb8;
	[tilespmem:$0x16A80] =	vst v63  }
0xfb: {  	_ =	swait.ge [sflag:s12], $0x80  }
0xfc: {  	[sflag:s12] =	ssyncset.done $0x0  }
0xfd: {  	[sflag:s12] =	ssyncadd.s32 $0xFFFFFF80  }
0xfe: {  	s21 =	simm.s32 @p1 $0x14000;
	[bflag:$0x0] =	sbarrier.arrive $0xFFFF  }
0xff: {  	s19 =	simm.s32 @p1 $0x80;
	s20 =	simm.s32 @p1 $0x200;
	[bflag:$0x0] =	sbarrier.arrive @p1 $0xFFFF  }
0x100: {  	[tilespmem:s21], [sflag:$0x1] =	stream.strided.gather @p1 [hbm4b:s9+s19], $0x2800, s20, s19, $0x38;
	[tilespmem:$0x16A80] =	vst v63  }
0x101: {  	s19 =	simm.s32 @p1 $0x1  }
0x102: {  	_ =	swait.ge @p1 [sflag:s19], $0x2800  }
0x103: {  	s22 =	simm.s32 @!p1 $0x1C01;
	s20 =	simm.s32 @!p1 $0x40;
	[sflag:s19] =	ssyncset.done @p1 $0x0  }
0x104: {  	s21 =	simm.s32 @!p1 $0x10;
	[sflag:s19] =	ssyncadd.s32 @p1 $0xFFFFD800;
	s19 =	simm.s32 @!p1 $0x1  }
0x105: {  	[hbm:s9@s20], [sflag:s22] =	dma.strided @!p1 [spmem:s15@s21], $0x500, s19, $0x10   }
0x106: {  	_ =	swait.ge @!p1 [sflag:s19], $0x500  }
0x107: {  	[sflag:s19] =	ssyncset.done @!p1 $0x0  }
0x108: {  	s23 =	simm.s32 @!p1 $0x14000;
	[sflag:s19] =	ssyncadd.s32 @!p1 $0xFFFFFB00  }
0x109: {  	s20 =	simm.s32 @!p1 $0x80;
	s21 =	simm.s32 @!p1 $0x200;
	[bflag:$0x0] =	sbarrier.arrive @!p1 $0xFFFF  }
0x10a: {  	[tilespmem:s23], [sflag:$0x1] =	stream.strided.gather @!p1 [hbm4b:s9+s20], $0x2800, s21, s20, $0x38;
	[tilespmem:$0x16A80] =	vst v63  }
0x10b: {  	_ =	swait.ge @!p1 [sflag:s19], $0x2800  }
0x10c: {  	[sflag:s19] =	ssyncset.done @!p1 $0x0  }
0x10d: {  	[sflag:s19] =	ssyncadd.s32 @!p1 $0xFFFFD800  }
0x10e: {  	[spmem:s15], [sflag:s22] =	dma.local @!p1 [hbm:s3], $0x500  }
0x10f: {  	_ =	swait.ge @!p1 [sflag:s19], $0x500  }
0x110: {  	[sflag:s19] =	ssyncset.done @!p1 $0x0  }
0x111: {  	[sflag:s19] =	ssyncadd.s32 @!p1 $0xFFFFFB00  }
0x112: {  	s29 =	simm.s32 $0x0;
	[bflag:$0x0] =	sbarrier.arrive $0xFFFF  }
0x113: {  	v48 =	vld [tilespmem:s29+$0x0];
	_ =	sdelay $0x5  }
0x114: {  	v49 =	vld [tilespmem:s29+$0x10]  }
0x115: {  	v50 =	vld [tilespmem:s29+$0xA000]  }
0x116: {  	v0 =	vld.idx.msk [tilespmem:v48+s17+$0x0], $0xffff;
	_ =	sdelay $0x4  }
0x117: {  	v0 =	vmul.f32 v50, v0  }
0x118: {  	v51 =	vld [tilespmem:s29+$0x20]  }
0x119: {  	v52 =	vld [tilespmem:s29+$0xA010];
	[tilespmem:s29+$0xF000] =	vst v0  }
0x11a: {  	v1 =	vld.idx.msk [tilespmem:v49+s17+$0x0], $0xffff;
	_ =	sdelay $0x4  }
0x11b: {  	v1 =	vmul.f32 v52, v1  }
0x11c: {  	v53 =	vld [tilespmem:s29+$0x30]  }
0x11d: {  	v54 =	vld [tilespmem:s29+$0xA020];
	[tilespmem:s29+$0xF010] =	vst v1  }
0x11e: {  	v0 =	vld.idx.msk [tilespmem:v51+s17+$0x0], $0xffff;
	_ =	sdelay $0x4  }
0x11f: {  	v0 =	vmul.f32 v54, v0  }
0x120: {  	v55 =	vld [tilespmem:s29+$0x40]  }
0x121: {  	v56 =	vld [tilespmem:s29+$0xA030];
	[tilespmem:s29+$0xF020] =	vst v0  }
0x122: {  	v1 =	vld.idx.msk [tilespmem:v53+s17+$0x0], $0xffff;
	_ =	sdelay $0x4  }
0x123: {  	v1 =	vmul.f32 v56, v1  }
0x124: {  	v57 =	vld [tilespmem:s29+$0x50]  }
0x125: {  	v58 =	vld [tilespmem:s29+$0xA040];
	[tilespmem:s29+$0xF030] =	vst v1  }
0x126: {  	v0 =	vld.idx.msk [tilespmem:v55+s17+$0x0], $0xffff;
	_ =	sdelay $0x4  }
0x127: {  	v0 =	vmul.f32 v58, v0  }
0x128: {  	v59 =	vld [tilespmem:s29+$0x60]  }
0x129: {  	v60 =	vld [tilespmem:s29+$0xA050];
	[tilespmem:s29+$0xF040] =	vst v0  }
0x12a: {  	v1 =	vld.idx.msk [tilespmem:v57+s17+$0x0], $0xffff;
	_ =	sdelay $0x4  }
0x12b: {  	v1 =	vmul.f32 v60, v1  }
0x12c: {  	v61 =	vld [tilespmem:s29+$0x70]  }
0x12d: {  	v62 =	vld [tilespmem:s29+$0xA060];
	[tilespmem:s29+$0xF050] =	vst v1  }
0x12e: {  	v0 =	vld.idx.msk [tilespmem:v59+s17+$0x0], $0xffff;
	_ =	sdelay $0x4  }
0x12f: {  	v0 =	vmul.f32 v62, v0;
	_ =	sdelay $0x1  }
0x130: {  	v63 =	vld [tilespmem:s29+$0xA070];
	[tilespmem:s29+$0xF060] =	vst v0  }
0x131: {  	v0 =	vld.idx.msk [tilespmem:v61+s17+$0x0], $0xffff;
	_ =	sdelay $0x4  }
0x132: {  	v0 =	vmul.f32 v63, v0;
	_ =	sdelay $0x1  }
0x133: {  	s30 =	simm.s32 $0xF000;
	s31 =	simm.s32 $0x5000;
	[tilespmem:s29+$0xF070] =	vst v0  }
0x134: {  	[spmem:s1] =	stream.indirect.scatter.add.f32 [tilespmem:s30], [sflag:$0x1], $0x1, s31, s16, $0xb8;
	[tilespmem:$0x16A80] =	vst v63  }
0x135: {  	_ =	swait.ge [sflag:s12], $0x80  }
0x136: {  	s22 =	simm.s32 $0x400;
	s19 =	simm.s32 $0x200;
	[sflag:s12] =	ssyncset.done $0x0  }
.LBB2_10:
0x137: {  	s21 =	sshra.s32 s19, $0x2  }
0x138: {  	[sflag:s12] =	ssyncadd.s32 $0xFFFFFF80;
	s19 =	smov.u32 s22;
	s20 =	sadd.s32 $0x200, s22  }
0x139: {  	p2 =	sne.s32 s22, $0x13800;
	v0 =	vld [tilespmem:s21+$0x0];
	_ =	sdelay $0x6  }
0x13a: {  	v1 =	vld [tilespmem:s21+$0x10]  }
0x13b: {  	v0 =	vld.idx.msk [tilespmem:v0+s17+$0x0], $0xffff  }
0x13c: {  	v2 =	vld [tilespmem:s21+$0xA000];
	_ =	sdelay $0x4  }
0x13d: {  	v0 =	vmul.f32 v2, v0;
	_ =	sdelay $0x1  }
0x13e: {  	[tilespmem:s21+$0xF000] =	vst v0;
	v0 =	vld [tilespmem:s21+$0x20]  }
0x13f: {  	v1 =	vld.idx.msk [tilespmem:v1+s17+$0x0], $0xffff  }
0x140: {  	v2 =	vld [tilespmem:s21+$0xA010];
	_ =	sdelay $0x4  }
0x141: {  	v1 =	vmul.f32 v2, v1;
	_ =	sdelay $0x1  }
0x142: {  	[tilespmem:s21+$0xF010] =	vst v1;
	v1 =	vld [tilespmem:s21+$0x30]  }
0x143: {  	v0 =	vld.idx.msk [tilespmem:v0+s17+$0x0], $0xffff  }
0x144: {  	v2 =	vld [tilespmem:s21+$0xA020];
	_ =	sdelay $0x4  }
0x145: {  	v0 =	vmul.f32 v2, v0;
	_ =	sdelay $0x1  }
0x146: {  	[tilespmem:s21+$0xF020] =	vst v0;
	v0 =	vld [tilespmem:s21+$0x40]  }
0x147: {  	v1 =	vld.idx.msk [tilespmem:v1+s17+$0x0], $0xffff  }
0x148: {  	v2 =	vld [tilespmem:s21+$0xA030];
	_ =	sdelay $0x4  }
0x149: {  	v1 =	vmul.f32 v2, v1;
	_ =	sdelay $0x1  }
0x14a: {  	[tilespmem:s21+$0xF030] =	vst v1;
	v1 =	vld [tilespmem:s21+$0x50]  }
0x14b: {  	v0 =	vld.idx.msk [tilespmem:v0+s17+$0x0], $0xffff  }
0x14c: {  	v2 =	vld [tilespmem:s21+$0xA040];
	_ =	sdelay $0x4  }
0x14d: {  	v0 =	vmul.f32 v2, v0;
	_ =	sdelay $0x1  }
0x14e: {  	[tilespmem:s21+$0xF040] =	vst v0;
	v0 =	vld [tilespmem:s21+$0x60]  }
0x14f: {  	v1 =	vld.idx.msk [tilespmem:v1+s17+$0x0], $0xffff  }
0x150: {  	v2 =	vld [tilespmem:s21+$0xA050];
	_ =	sdelay $0x4  }
0x151: {  	v1 =	vmul.f32 v2, v1;
	_ =	sdelay $0x1  }
0x152: {  	[tilespmem:s21+$0xF050] =	vst v1;
	v1 =	vld [tilespmem:s21+$0x70]  }
0x153: {  	v0 =	vld.idx.msk [tilespmem:v0+s17+$0x0], $0xffff  }
0x154: {  	v2 =	vld [tilespmem:s21+$0xA060];
	_ =	sdelay $0x4  }
0x155: {  	v0 =	vmul.f32 v2, v0;
	_ =	sdelay $0x1  }
0x156: {  	[tilespmem:s21+$0xF060] =	vst v0  }
0x157: {  	v0 =	vld.idx.msk [tilespmem:v1+s17+$0x0], $0xffff  }
0x158: {  	v1 =	vld [tilespmem:s21+$0xA070];
	_ =	sdelay $0x4  }
0x159: {  	v0 =	vmul.f32 v1, v0  }
.Ltmp5:
0x15a: {  	(pc) =	sbr.rel @p2 .LBB2_10-.Ltmp5, $4  }
0x15b: {  	s22 =	sadd.s32 $0xF000, s21;
	[tilespmem:s21+$0xF070] =	vst v0;
	s21 =	sadd.s32 $0x5000, s21  }
0x15c: {  	[spmem:s1] =	stream.indirect.scatter.add.f32 [tilespmem:s22], [sflag:$0x1], $0x1, s21, s16, $0xb8;
	[tilespmem:$0x16A80] =	vst v63  }
0x15d: {  	_ =	swait.ge [sflag:s12], $0x80  }
0x15e: {  	s22 =	smov.u32 s20;
	[sflag:s12] =	ssyncset.done $0x0  }
.Ltmp6:
0x15f: {  	_ = 	snop;
	(pc) =	sbr.rel .LBB2_11-.Ltmp6, $1  }
0x160: {  	_ =	sdelay $0x3  }
.LBB2_2:
0x161: {  	s19 =	simm.s32 @!p1 $0x1C01  }
0x162: {  	[spmem:s15], [sflag:s19] =	dma.local @!p1 [hbm:s3], $0x500  }
0x163: {  	s19 =	simm.s32 @!p1 $0x1  }
0x164: {  	_ =	swait.ge @!p1 [sflag:s19], $0x500  }
0x165: {  	[sflag:s19] =	ssyncset.done @!p1 $0x0  }
0x166: {  	[sflag:s19] =	ssyncadd.s32 @!p1 $0xFFFFFB00  }
0x167: {  	s31 =	simm.s32 $0x0;
	s20 =	simm.s32 $0xA000;
	[bflag:$0x0] =	sbarrier.arrive $0xFFFF  }
0x168: {  	[spmem:s1] =	stream.indirect.scatter.add.f32 [tilespmem:s20], [sflag:$0x1], $0x1, s31, s16, $0xb8;
	[tilespmem:$0x16A80] =	vst v63  }
0x169: {  	s19 =	simm.s32 $0x200;
	_ =	swait.ge [sflag:s12], $0x80  }
.LBB2_3:
0x16a: {  	s20 =	sshra.s32 s19, $0x2;
	[sflag:s12] =	ssyncset.done $0x0;
	p2 =	sne.s32 s19, $0x13800  }
.Ltmp7:
0x16b: {  	s21 =	sadd.s32 $0xA000, s20;
	[sflag:s12] =	ssyncadd.s32 $0xFFFFFF80;
	(pc) =	sbr.rel @p2 .LBB2_3-.Ltmp7, $3  }
0x16c: {  	[spmem:s1] =	stream.indirect.scatter.add.f32 [tilespmem:s21], [sflag:$0x1], $0x1, s20, s16, $0xb8;
	[tilespmem:$0x16A80] =	vst v63  }
0x16d: {  	s19 =	sadd.s32 $0x200, s19;
	_ =	sdelay $0x1  }
0x16e: {  	_ =	swait.ge [sflag:s12], $0x80  }
0x16f: {  	[sflag:s12] =	ssyncset.done $0x0;
	s19 =	simm.s32 @!p1 $0x1  }
0x170: {  	s20 =	simm.s32 @!p1 $0x40;
	s21 =	simm.s32 @!p1 $0x10;
	[sflag:s12] =	ssyncadd.s32 $0xFFFFFF80  }
.Ltmp8:
0x171: {  	s22 =	simm.s32 @!p1 $0x1C01;
	[bflag:$0x0] =	sbarrier.arrive $0xFFFF;
	(pc) =	sbr.rel .LBB2_12-.Ltmp8, $4  }
0x172: {  	[hbm:s4@s20], [sflag:s22] =	dma.strided @!p1 [spmem:s15@s21], $0x500, s19, $0x10   }
0x173: {  	_ =	swait.ge @!p1 [sflag:s19], $0x500  }
0x174: {  	[sflag:s19] =	ssyncset.done @!p1 $0x0  }
0x175: {  	[sflag:s19] =	ssyncadd.s32 @!p1 $0xFFFFFB00  }
.LBB2_13:
0x176: {  	_ =	sfence.sel $0x180000  }
0x177: {  	[bflag:$0x0] =	sbarrier.arrive $0xFFFF  }
0x178: {  	_ =	strace $0x90000047  }
0x179: {  	s0 =	sadd.s32 @!p1 $0x100000, s0;
	[bflag:$0x2] =	sbarrier.arrive $0xFFFF  }
0x17a: {  	[sflag:s0] =	ssyncadd.tile.s32 @!p1 $0x1;
	_ =	shalt  }
.Lfunc_end2:
_tile_overlayer_lowered:
.L_overlay_start_2:
0x17b: {  	(tag) =	ssettag $0x2  }
0x17c: {  	s0 =	rddreg [dreg:$0x0];
	s2 =	stileid.u32  }
0x17d: {  	s1 =	rddreg [dreg:$0x1];
	p0 =	sne.s32 s2, $0x0  }
0x17e: {  	s3 =	rddreg [dreg:$0x2];
	[bflag:$0x3] =	sbarrier.arrive $0xFFFF;
	s2 =	simm.s32 @!p0 $0x1C01  }
0x17f: {  	[timem:s3], [sflag:s2] =	dma.local @!p0 [hbm:s0], s1  }
0x180: {  	s0 =	simm.s32 @!p0 $0x1  }
0x181: {  	_ =	swait.ge @!p0 [sflag:s0], s1  }
0x182: {  	s1 =	ssub.s32 @!p0 $0x0, s1;
	[sflag:s0] =	ssyncset.done @!p0 $0x0  }
0x183: {  	[sflag:s0] =	ssyncadd.s32 @!p0 s1  }
0x184: {  	[bflag:$0x3] =	sbarrier.arrive $0xFFFF  }
0x185: {  	_ =	shalt  }

</sc_bundles>
